<compile_context>
chip_gen: v7x
topology: tpu7x:2x2x1
jax: 0.10.2.dev20260603
libtpu: 0.0.44.dev20260713+nightly
codegen_flags: <defaults>
</compile_context>

<pallas_src>
import functools

import jax
import jax.numpy as jnp
from jax import lax
from jax.experimental import pallas as pl
from jax.experimental.pallas import tpu as pltpu
from jax.experimental.pallas import tpu_sc as plsc

B, T, D = 16, 2048, 256
MAX = 6144
L = 16
NW = 32
ROWS_PER_W = (B * MAX) // NW
CH = 128
NCHUNK = ROWS_PER_W // CH

_mesh = plsc.VectorSubcoreMesh(
    core_axis_name="c", subcore_axis_name="s", num_cores=2, num_subcores=16
)


@functools.partial(
    pl.kernel,
    out_type=(
        jax.ShapeDtypeStruct((B * MAX, D), jnp.float32),
        jax.ShapeDtypeStruct((B, L), jnp.int32),
    ),
    mesh=_mesh,
    compiler_params=pltpu.CompilerParams(needs_layout_passes=False),
    scratch_types=[
        pltpu.VMEM((T,), jnp.int32),
        pltpu.VMEM((MAX,), jnp.int32),
        pltpu.VMEM((CH, D), jnp.float32),
        pltpu.VMEM((CH, D), jnp.float32),
        pltpu.VMEM((CH, D), jnp.float32),
        pltpu.VMEM((L,), jnp.int32),
        pltpu.SemaphoreType.DMA,
        pltpu.SemaphoreType.DMA,
        pltpu.SemaphoreType.DMA,
    ],
)
def _upsample_sc(table_hbm, dur_hbm, out_hbm, len_hbm,
                 dur_v, srcidx_v, rows_a, rows_b, zero_v, len_v,
                 sem_a, sem_b, sem_w):
    cid = lax.axis_index("c")
    sid = lax.axis_index("s")
    b = sid
    half = cid

    pltpu.make_async_copy(dur_hbm.at[b], dur_v, sem_a).start()

    lanes = lax.iota(jnp.int32, L)
    row0 = b * T
    zrow = jnp.zeros((L,), jnp.float32)

    def init_body(i, _):
        srcidx_v[pl.ds(i * L, L)] = row0 + ((i * L + lanes) & (T - 1))
        return 0

    lax.fori_loop(0, MAX // L, init_body, 0, unroll=8)

    pltpu.make_async_copy(dur_hbm.at[b], dur_v, sem_a).wait()

    def scan_body(i, carry):
        d = dur_v[pl.ds(i * L, L)]
        incl = plsc.cumsum(d)
        starts = carry + incl - d
        ids = lanes + (row0 + i * L)
        for k in range(3):
            plsc.store_scatter(srcidx_v, [starts + k], ids, mask=d > k)
        return carry + incl[L - 1]

    total = lax.fori_loop(0, T // L, scan_body, jnp.int32(0), unroll=4)

    out0 = b * MAX
    nf = total // CH
    rem = total - nf * CH
    nfull = (nf + 1 - half) // 2
    mine = (rem > 0) & ((nf & 1) == half)

    def chunk0(n):
        return (half + 2 * n) * CH

    def gather(n, buf, sem):
        idx = srcidx_v.at[pl.ds(chunk0(n), CH)]
        return pltpu.make_async_copy(table_hbm.at[idx], buf, sem)

    def store_out(n, buf):
        return pltpu.make_async_copy(
            buf, out_hbm.at[pl.ds(out0 + chunk0(n), CH)], sem_w)

    @pl.when(nfull > 0)
    def _():
        gather(0, rows_a, sem_a).start()

    def zbuf_body(i, _):
        for c in range(D // L):
            zero_v[i, pl.ds(c * L, L)] = zrow
        return 0

    lax.fori_loop(0, CH, zbuf_body, 0, unroll=2)

    def process(n, buf, sem, obuf, osem):
        @pl.when(n >= 1)
        def _():
            store_out(n, obuf).wait()

        @pl.when(n + 1 < nfull)
        def _():
            gather(n + 1, obuf, osem).start()

        gather(n, buf, sem).wait()
        store_out(n, buf).start()

    def gather_body(n, _):
        @pl.when(n % 2 == 0)
        def _():
            process(n, rows_a, sem_a, rows_b, sem_b)

        @pl.when(n % 2 == 1)
        def _():
            process(n, rows_b, sem_b, rows_a, sem_a)

        return 0

    lax.fori_loop(0, nfull, gather_body, 0)

    @pl.when(half == 0)
    def _():
        len_v[...] = jnp.full((L,), total, jnp.int32)
        pltpu.sync_copy(len_v, len_hbm.at[b])

    @pl.when(nfull > 0)
    def _():
        store_out(0, rows_a).wait()

    @pl.when(mine)
    def _():
        gather(nfull, rows_a, sem_a).start()
        gather(nfull, rows_a, sem_a).wait()

        def tail_body(r, _):
            for c in range(D // L):
                rows_a[r, pl.ds(c * L, L)] = zrow
            return 0

        lax.fori_loop(rem, CH, tail_body, 0)
        store_out(nfull, rows_a).start()
        store_out(nfull, rows_a).wait()

    zstart = nfull + mine.astype(jnp.int32)

    def zfill_start(n, _):
        pltpu.make_async_copy(
            zero_v, out_hbm.at[pl.ds(out0 + chunk0(n), CH)], sem_b).start()
        return 0

    lax.fori_loop(zstart, NCHUNK, zfill_start, 0)

    def zfill_wait(n, _):
        pltpu.make_async_copy(
            zero_v, out_hbm.at[pl.ds(out0 + chunk0(n), CH)], sem_b).wait()
        return 0

    lax.fori_loop(zstart, NCHUNK, zfill_wait, 0)


def kernel(fused_features, fused_masks, duration, max_mel_len):
    assert fused_features.shape == (B, T, D)
    table = jnp.reshape(fused_features, (B * T, D))
    dur2d = jnp.reshape(duration, (B, T)).astype(jnp.int32)
    out_flat, len_l = _upsample_sc(table, dur2d)
    len_pred = len_l[:, 0]
    features = jnp.reshape(out_flat, (B, MAX, D))
    total_tc = jnp.sum(dur2d, axis=1)
    limit = jnp.minimum(total_tc, jnp.asarray(max_mel_len, jnp.int32))
    masks = jnp.arange(MAX, dtype=jnp.int32)[None, :, None] >= limit[:, None, None]
    return features, masks, len_pred

# --- scband reference (transcript-rebuilt; emitter-appended) ---
"""Pipeline reference for scband-feature-upsampler-11845519802903 (READ-ONLY COPY).

The authoritative reference and input builder live on the scoring server;
editing this copy changes nothing except your own understanding.
"""

import jax, jax.numpy as jnp
import numpy as np

def setup_inputs(seed: int = 0) -> dict:
    key = jax.random.key(seed)
    k1, k2 = jax.random.split(key)
    B, T, D = 16, 2048, 256
    fused_features = jax.random.normal(k1, (B, T, D), dtype=jnp.float32)
    fused_masks = jnp.zeros((B, T, 1), dtype=bool)
    duration = jax.random.randint(k2, (B, T, 1), 0, 4).astype(jnp.int32)
    return {
        'fused_features': fused_features,
        'fused_masks': fused_masks,
        'duration': duration,
        'max_mel_len': 6144,
    }


def reference(fused_features, fused_masks, duration, max_mel_len):
    B = fused_features.shape[0]
    MAX = 6144
    idx = jnp.arange(MAX)
    feats, masks, mel_len = [], [], []
    for b in range(B):
        rep = jnp.reshape(duration[b], (-1,)).astype(jnp.int32)
        total = rep.sum().astype(jnp.int32)
        f = jnp.repeat(fused_features[b], rep, axis=0, total_repeat_length=MAX)
        m = jnp.repeat(fused_masks[b], rep, axis=0, total_repeat_length=MAX)
        mel_len.append(total)
        valid = idx < jnp.minimum(total, max_mel_len)
        f = jnp.where(valid[:, None], f, 0.0)
        m = jnp.where(valid[:, None], m, True)
        feats.append(f)
        masks.append(m)
    features = jnp.stack(feats)
    masks = jnp.stack(masks)
    len_pred = jnp.stack(mel_len).astype(jnp.int32)
    return (features, masks, len_pred)

if __name__ == "__main__":
    import jax
    _d = setup_inputs()
    print(jax.jit(kernel)(*tuple(_d.values())))

</pallas_src>

<mosaic_0001>
#map = affine_map<(d0, d1) -> (0, 0)>
module attributes {stable_mosaic.version = 14 : i64} {
  func.func @_upsample_sc(%arg0: i32, %arg1: i32, %arg2: memref<32768x256xf32, #tpu.memory_space<hbm>>, %arg3: memref<16x2048xi32, #tpu.memory_space<hbm>>, %arg4: memref<98304x256xf32, #tpu.memory_space<hbm>>, %arg5: memref<16x16xi32, #tpu.memory_space<hbm>>, %arg6: memref<2048xi32, #tpu.memory_space<vmem>>, %arg7: memref<6144xi32, #tpu.memory_space<vmem>>, %arg8: memref<128x256xf32, #tpu.memory_space<vmem>>, %arg9: memref<128x256xf32, #tpu.memory_space<vmem>>, %arg10: memref<128x256xf32, #tpu.memory_space<vmem>>, %arg11: memref<16xi32, #tpu.memory_space<vmem>>, %arg12: memref<!tpu.dma_semaphore, #tpu.memory_space<semaphore_mem>>, %arg13: memref<!tpu.dma_semaphore, #tpu.memory_space<semaphore_mem>>, %arg14: memref<!tpu.dma_semaphore, #tpu.memory_space<semaphore_mem>>) attributes {dimension_semantics = [#tpu.dimension_semantics<core_parallel>, #tpu.dimension_semantics<subcore_parallel>], iteration_bounds = array<i64: 2, 16>, scalar_prefetch = 0 : i64, scratch_operands = 9 : i64, tpu.core_type = #tpu.core_type<sc_vector_subcore>, window_params = [{transform_indices = #map}, {transform_indices = #map}, {transform_indices = #map}, {transform_indices = #map}]} {
    %dma_start3A = arith.constant 0 : i32
    %dma_start3A_0 = tpu.memref_slice %arg3[%arg1, %dma_start3A] : memref<16x2048xi32, #tpu.memory_space<hbm>> -> memref<1x2048xi32, #tpu.memory_space<hbm>>
    %dma_start3A_1 = tpu.memref_squeeze %dma_start3A_0 : memref<1x2048xi32, #tpu.memory_space<hbm>> -> memref<2048xi32, #tpu.memory_space<hbm>>
    %dma_start3A_2 = arith.constant 0 : i32
    %dma_start3A_3 = tpu.memref_slice %arg3[%arg1, %dma_start3A_2] : memref<16x2048xi32, #tpu.memory_space<hbm>> -> memref<1x2048xi32, #tpu.memory_space<hbm>>
    %dma_start3A_4 = tpu.memref_squeeze %dma_start3A_3 : memref<1x2048xi32, #tpu.memory_space<hbm>> -> memref<2048xi32, #tpu.memory_space<hbm>>
    tpu.enqueue_dma source(%dma_start3A_4 : memref<2048xi32, #tpu.memory_space<hbm>>) target(%arg6 : memref<2048xi32, #tpu.memory_space<vmem>>) target_semaphore(%arg12 : memref<!tpu.dma_semaphore, #tpu.memory_space<semaphore_mem>>)
    %iota3A = tpu.iota {dimensions = array<i32: 0>} : vector<16xi32>
    %mul3A = arith.constant 2048 : i32
    %mul3A_5 = arith.muli %arg1, %mul3A : i32
    %broadcast_in_dim3A = arith.constant 0.000000e+00 : f32
    %broadcast_in_dim3A_6 = vector.broadcast %broadcast_in_dim3A : f32 to vector<16xf32>
    %scan3A = arith.constant 0 : i32
    %scan3A_7 = arith.constant 0 : i32
    %scan3A_8 = arith.constant 384 : i32
    %scan3A_9 = arith.addi %scan3A_7, %scan3A_8 : i32
    %scan3A_10 = arith.constant 8 : i32
    %scan3A_11 = scf.for %scan3A_136 = %scan3A_7 to %scan3A_9 step %scan3A_10 iter_args(%scan3A_137 = %scan3A) -> (i32)  : i32 {
      %mul3A_138 = arith.constant 16 : i32
      %mul3A_139 = arith.muli %scan3A_136, %mul3A_138 : i32
      %add3A_140 = vector.broadcast %mul3A_139 : i32 to vector<16xi32>
      %add3A_141 = arith.addi %add3A_140, %iota3A : vector<16xi32>
      %and3A_142 = arith.constant 2047 : i32
      %and3A_143 = vector.broadcast %and3A_142 : i32 to vector<16xi32>
      %and3A_144 = arith.andi %add3A_141, %and3A_143 : vector<16xi32>
      %add3A_145 = vector.broadcast %mul3A_5 : i32 to vector<16xi32>
      %add3A_146 = arith.addi %add3A_145, %and3A_144 : vector<16xi32>
      %mul3A_147 = arith.constant 16 : i32
      %mul3A_148 = arith.muli %scan3A_136, %mul3A_147 : i32
      %swap3A = arith.index_cast %mul3A_148 : i32 to index
      %swap3A_149 = tpu.vector_load %arg7[%swap3A] {strides = array<i32>} : memref<6144xi32, #tpu.memory_space<vmem>>, vector<16xi32>,
      tpu.vector_store %arg7[%swap3A], %add3A_146 {strides = array<i32>} : memref<6144xi32, #tpu.memory_space<vmem>>, vector<16xi32>,
      %scan3A_150 = arith.constant 0 : i32
      %scan3A_151 = arith.constant 1 : i32
      %scan3A_152 = arith.addi %scan3A_136, %scan3A_151 : i32
      %mul3A_153 = arith.constant 16 : i32
      %mul3A_154 = arith.muli %scan3A_152, %mul3A_153 : i32
      %add3A_155 = vector.broadcast %mul3A_154 : i32 to vector<16xi32>
      %add3A_156 = arith.addi %add3A_155, %iota3A : vector<16xi32>
      %and3A_157 = arith.constant 2047 : i32
      %and3A_158 = vector.broadcast %and3A_157 : i32 to vector<16xi32>
      %and3A_159 = arith.andi %add3A_156, %and3A_158 : vector<16xi32>
      %add3A_160 = vector.broadcast %mul3A_5 : i32 to vector<16xi32>
      %add3A_161 = arith.addi %add3A_160, %and3A_159 : vector<16xi32>
      %mul3A_162 = arith.constant 16 : i32
      %mul3A_163 = arith.muli %scan3A_152, %mul3A_162 : i32
      %swap3A_164 = arith.index_cast %mul3A_163 : i32 to index
      %swap3A_165 = tpu.vector_load %arg7[%swap3A_164] {strides = array<i32>} : memref<6144xi32, #tpu.memory_space<vmem>>, vector<16xi32>,
      tpu.vector_store %arg7[%swap3A_164], %add3A_161 {strides = array<i32>} : memref<6144xi32, #tpu.memory_space<vmem>>, vector<16xi32>,
      %scan3A_166 = arith.constant 0 : i32
      %scan3A_167 = arith.constant 2 : i32
      %scan3A_168 = arith.addi %scan3A_136, %scan3A_167 : i32
      %mul3A_169 = arith.constant 16 : i32
      %mul3A_170 = arith.muli %scan3A_168, %mul3A_169 : i32
      %add3A_171 = vector.broadcast %mul3A_170 : i32 to vector<16xi32>
      %add3A_172 = arith.addi %add3A_171, %iota3A : vector<16xi32>
      %and3A_173 = arith.constant 2047 : i32
      %and3A_174 = vector.broadcast %and3A_173 : i32 to vector<16xi32>
      %and3A_175 = arith.andi %add3A_172, %and3A_174 : vector<16xi32>
      %add3A_176 = vector.broadcast %mul3A_5 : i32 to vector<16xi32>
      %add3A_177 = arith.addi %add3A_176, %and3A_175 : vector<16xi32>
      %mul3A_178 = arith.constant 16 : i32
      %mul3A_179 = arith.muli %scan3A_168, %mul3A_178 : i32
      %swap3A_180 = arith.index_cast %mul3A_179 : i32 to index
      %swap3A_181 = tpu.vector_load %arg7[%swap3A_180] {strides = array<i32>} : memref<6144xi32, #tpu.memory_space<vmem>>, vector<16xi32>,
      tpu.vector_store %arg7[%swap3A_180], %add3A_177 {strides = array<i32>} : memref<6144xi32, #tpu.memory_space<vmem>>, vector<16xi32>,
      %scan3A_182 = arith.constant 0 : i32
      %scan3A_183 = arith.constant 3 : i32
      %scan3A_184 = arith.addi %scan3A_136, %scan3A_183 : i32
      %mul3A_185 = arith.constant 16 : i32
      %mul3A_186 = arith.muli %scan3A_184, %mul3A_185 : i32
      %add3A_187 = vector.broadcast %mul3A_186 : i32 to vector<16xi32>
      %add3A_188 = arith.addi %add3A_187, %iota3A : vector<16xi32>
      %and3A_189 = arith.constant 2047 : i32
      %and3A_190 = vector.broadcast %and3A_189 : i32 to vector<16xi32>
      %and3A_191 = arith.andi %add3A_188, %and3A_190 : vector<16xi32>
      %add3A_192 = vector.broadcast %mul3A_5 : i32 to vector<16xi32>
      %add3A_193 = arith.addi %add3A_192, %and3A_191 : vector<16xi32>
      %mul3A_194 = arith.constant 16 : i32
      %mul3A_195 = arith.muli %scan3A_184, %mul3A_194 : i32
      %swap3A_196 = arith.index_cast %mul3A_195 : i32 to index
      %swap3A_197 = tpu.vector_load %arg7[%swap3A_196] {strides = array<i32>} : memref<6144xi32, #tpu.memory_space<vmem>>, vector<16xi32>,
      tpu.vector_store %arg7[%swap3A_196], %add3A_193 {strides = array<i32>} : memref<6144xi32, #tpu.memory_space<vmem>>, vector<16xi32>,
      %scan3A_198 = arith.constant 0 : i32
      %scan3A_199 = arith.constant 4 : i32
      %scan3A_200 = arith.addi %scan3A_136, %scan3A_199 : i32
      %mul3A_201 = arith.constant 16 : i32
      %mul3A_202 = arith.muli %scan3A_200, %mul3A_201 : i32
      %add3A_203 = vector.broadcast %mul3A_202 : i32 to vector<16xi32>
      %add3A_204 = arith.addi %add3A_203, %iota3A : vector<16xi32>
      %and3A_205 = arith.constant 2047 : i32
      %and3A_206 = vector.broadcast %and3A_205 : i32 to vector<16xi32>
      %and3A_207 = arith.andi %add3A_204, %and3A_206 : vector<16xi32>
      %add3A_208 = vector.broadcast %mul3A_5 : i32 to vector<16xi32>
      %add3A_209 = arith.addi %add3A_208, %and3A_207 : vector<16xi32>
      %mul3A_210 = arith.constant 16 : i32
      %mul3A_211 = arith.muli %scan3A_200, %mul3A_210 : i32
      %swap3A_212 = arith.index_cast %mul3A_211 : i32 to index
      %swap3A_213 = tpu.vector_load %arg7[%swap3A_212] {strides = array<i32>} : memref<6144xi32, #tpu.memory_space<vmem>>, vector<16xi32>,
      tpu.vector_store %arg7[%swap3A_212], %add3A_209 {strides = array<i32>} : memref<6144xi32, #tpu.memory_space<vmem>>, vector<16xi32>,
      %scan3A_214 = arith.constant 0 : i32
      %scan3A_215 = arith.constant 5 : i32
      %scan3A_216 = arith.addi %scan3A_136, %scan3A_215 : i32
      %mul3A_217 = arith.constant 16 : i32
      %mul3A_218 = arith.muli %scan3A_216, %mul3A_217 : i32
      %add3A_219 = vector.broadcast %mul3A_218 : i32 to vector<16xi32>
      %add3A_220 = arith.addi %add3A_219, %iota3A : vector<16xi32>
      %and3A_221 = arith.constant 2047 : i32
      %and3A_222 = vector.broadcast %and3A_221 : i32 to vector<16xi32>
      %and3A_223 = arith.andi %add3A_220, %and3A_222 : vector<16xi32>
      %add3A_224 = vector.broadcast %mul3A_5 : i32 to vector<16xi32>
      %add3A_225 = arith.addi %add3A_224, %and3A_223 : vector<16xi32>
      %mul3A_226 = arith.constant 16 : i32
      %mul3A_227 = arith.muli %scan3A_216, %mul3A_226 : i32
      %swap3A_228 = arith.index_cast %mul3A_227 : i32 to index
      %swap3A_229 = tpu.vector_load %arg7[%swap3A_228] {strides = array<i32>} : memref<6144xi32, #tpu.memory_space<vmem>>, vector<16xi32>,
      tpu.vector_store %arg7[%swap3A_228], %add3A_225 {strides = array<i32>} : memref<6144xi32, #tpu.memory_space<vmem>>, vector<16xi32>,
      %scan3A_230 = arith.constant 0 : i32
      %scan3A_231 = arith.constant 6 : i32
      %scan3A_232 = arith.addi %scan3A_136, %scan3A_231 : i32
      %mul3A_233 = arith.constant 16 : i32
      %mul3A_234 = arith.muli %scan3A_232, %mul3A_233 : i32
      %add3A_235 = vector.broadcast %mul3A_234 : i32 to vector<16xi32>
      %add3A_236 = arith.addi %add3A_235, %iota3A : vector<16xi32>
      %and3A_237 = arith.constant 2047 : i32
      %and3A_238 = vector.broadcast %and3A_237 : i32 to vector<16xi32>
      %and3A_239 = arith.andi %add3A_236, %and3A_238 : vector<16xi32>
      %add3A_240 = vector.broadcast %mul3A_5 : i32 to vector<16xi32>
      %add3A_241 = arith.addi %add3A_240, %and3A_239 : vector<16xi32>
      %mul3A_242 = arith.constant 16 : i32
      %mul3A_243 = arith.muli %scan3A_232, %mul3A_242 : i32
      %swap3A_244 = arith.index_cast %mul3A_243 : i32 to index
      %swap3A_245 = tpu.vector_load %arg7[%swap3A_244] {strides = array<i32>} : memref<6144xi32, #tpu.memory_space<vmem>>, vector<16xi32>,
      tpu.vector_store %arg7[%swap3A_244], %add3A_241 {strides = array<i32>} : memref<6144xi32, #tpu.memory_space<vmem>>, vector<16xi32>,
      %scan3A_246 = arith.constant 0 : i32
      %scan3A_247 = arith.constant 7 : i32
      %scan3A_248 = arith.addi %scan3A_136, %scan3A_247 : i32
      %mul3A_249 = arith.constant 16 : i32
      %mul3A_250 = arith.muli %scan3A_248, %mul3A_249 : i32
      %add3A_251 = vector.broadcast %mul3A_250 : i32 to vector<16xi32>
      %add3A_252 = arith.addi %add3A_251, %iota3A : vector<16xi32>
      %and3A_253 = arith.constant 2047 : i32
      %and3A_254 = vector.broadcast %and3A_253 : i32 to vector<16xi32>
      %and3A_255 = arith.andi %add3A_252, %and3A_254 : vector<16xi32>
      %add3A_256 = vector.broadcast %mul3A_5 : i32 to vector<16xi32>
      %add3A_257 = arith.addi %add3A_256, %and3A_255 : vector<16xi32>
      %mul3A_258 = arith.constant 16 : i32
      %mul3A_259 = arith.muli %scan3A_248, %mul3A_258 : i32
      %swap3A_260 = arith.index_cast %mul3A_259 : i32 to index
      %swap3A_261 = tpu.vector_load %arg7[%swap3A_260] {strides = array<i32>} : memref<6144xi32, #tpu.memory_space<vmem>>, vector<16xi32>,
      tpu.vector_store %arg7[%swap3A_260], %add3A_257 {strides = array<i32>} : memref<6144xi32, #tpu.memory_space<vmem>>, vector<16xi32>,
      %scan3A_262 = arith.constant 0 : i32
      scf.yield %scan3A_262 : i32
    }
    %scan3A_12 = arith.constant 384 : i32
    %dma_wait3A = arith.constant 0 : i32
    %dma_wait3A_13 = tpu.memref_slice %arg3[%arg1, %dma_wait3A] : memref<16x2048xi32, #tpu.memory_space<hbm>> -> memref<1x2048xi32, #tpu.memory_space<hbm>>
    %dma_wait3A_14 = tpu.memref_squeeze %dma_wait3A_13 : memref<1x2048xi32, #tpu.memory_space<hbm>> -> memref<2048xi32, #tpu.memory_space<hbm>>
    %dma_wait3A_15 = arith.constant 0 : i32
    %dma_wait3A_16 = tpu.memref_slice %arg3[%arg1, %dma_wait3A_15] : memref<16x2048xi32, #tpu.memory_space<hbm>> -> memref<1x2048xi32, #tpu.memory_space<hbm>>
    %dma_wait3A_17 = tpu.memref_squeeze %dma_wait3A_16 : memref<1x2048xi32, #tpu.memory_space<hbm>> -> memref<2048xi32, #tpu.memory_space<hbm>>
    tpu.wait_dma2 semaphore(%arg12 : memref<!tpu.dma_semaphore, #tpu.memory_space<semaphore_mem>>) src(%dma_wait3A_17 : memref<2048xi32, #tpu.memory_space<hbm>>) dst(%arg6 : memref<2048xi32, #tpu.memory_space<vmem>>)
    %scan3A_18 = arith.constant 0 : i32
    %scan3A_19 = arith.constant 0 : i32
    %scan3A_20 = arith.constant 128 : i32
    %scan3A_21 = arith.addi %scan3A_19, %scan3A_20 : i32
    %scan3A_22 = arith.constant 4 : i32
    %scan3A_23 = scf.for %scan3A_136 = %scan3A_19 to %scan3A_21 step %scan3A_22 iter_args(%scan3A_137 = %scan3A_18) -> (i32)  : i32 {
      %mul3A_138 = arith.constant 16 : i32
      %mul3A_139 = arith.muli %scan3A_136, %mul3A_138 : i32
      %get3A = arith.index_cast %mul3A_139 : i32 to index
      %get3A_140 = tpu.vector_load %arg6[%get3A] {strides = array<i32>} : memref<2048xi32, #tpu.memory_space<vmem>>, vector<16xi32>,
      %broadcast_in_dim3A_141 = arith.constant true
      %broadcast_in_dim3A_142 = vector.broadcast %broadcast_in_dim3A_141 : i1 to vector<16xi1>
      %masked_cumsum3A = tpu.scan <sum>, %get3A_140 masked %broadcast_in_dim3A_142 : vector<16xi32>, vector<16xi1> -> vector<16xi32>
      %add3A_143 = vector.broadcast %scan3A_137 : i32 to vector<16xi32>
      %add3A_144 = arith.addi %add3A_143, %masked_cumsum3A : vector<16xi32>
      %sub3A_145 = arith.subi %add3A_144, %get3A_140 : vector<16xi32>
      %mul3A_146 = arith.constant 16 : i32
      %mul3A_147 = arith.muli %scan3A_136, %mul3A_146 : i32
      %add3A_148 = arith.addi %mul3A_5, %mul3A_147 : i32
      %add3A_149 = vector.broadcast %add3A_148 : i32 to vector<16xi32>
      %add3A_150 = arith.addi %iota3A, %add3A_149 : vector<16xi32>
      %add3A_151 = arith.constant 0 : i32
      %add3A_152 = vector.broadcast %add3A_151 : i32 to vector<16xi32>
      %add3A_153 = arith.addi %sub3A_145, %add3A_152 : vector<16xi32>
      %gt3A_154 = arith.constant 0 : i32
      %gt3A_155 = vector.broadcast %gt3A_154 : i32 to vector<16xi32>
      %gt3A_156 = arith.cmpi sgt, %get3A_140, %gt3A_155 : vector<16xi32>
      tpu.vector_store_idx %arg7[%add3A_153], %add3A_150 masked %gt3A_156 : memref<6144xi32, #tpu.memory_space<vmem>>[vector<16xi32>], vector<16xi32>, vector<16xi1>
      %add3A_157 = arith.constant 1 : i32
      %add3A_158 = vector.broadcast %add3A_157 : i32 to vector<16xi32>
      %add3A_159 = arith.addi %sub3A_145, %add3A_158 : vector<16xi32>
      %gt3A_160 = arith.constant 1 : i32
      %gt3A_161 = vector.broadcast %gt3A_160 : i32 to vector<16xi32>
      %gt3A_162 = arith.cmpi sgt, %get3A_140, %gt3A_161 : vector<16xi32>
      tpu.vector_store_idx %arg7[%add3A_159], %add3A_150 masked %gt3A_162 : memref<6144xi32, #tpu.memory_space<vmem>>[vector<16xi32>], vector<16xi32>, vector<16xi1>
      %add3A_163 = arith.constant 2 : i32
      %add3A_164 = vector.broadcast %add3A_163 : i32 to vector<16xi32>
      %add3A_165 = arith.addi %sub3A_145, %add3A_164 : vector<16xi32>
      %gt3A_166 = arith.constant 2 : i32
      %gt3A_167 = vector.broadcast %gt3A_166 : i32 to vector<16xi32>
      %gt3A_168 = arith.cmpi sgt, %get3A_140, %gt3A_167 : vector<16xi32>
      tpu.vector_store_idx %arg7[%add3A_165], %add3A_150 masked %gt3A_168 : memref<6144xi32, #tpu.memory_space<vmem>>[vector<16xi32>], vector<16xi32>, vector<16xi1>
      %slice3A = vector.extract_strided_slice %masked_cumsum3A {offsets = [15], sizes = [1], strides = [1]} : vector<16xi32> to vector<1xi32>
      %squeeze3A = vector.extract %slice3A[0] : i32 from vector<1xi32>
      %add3A_169 = arith.addi %scan3A_137, %squeeze3A : i32
      %scan3A_170 = arith.constant 1 : i32
      %scan3A_171 = arith.addi %scan3A_136, %scan3A_170 : i32
      %mul3A_172 = arith.constant 16 : i32
      %mul3A_173 = arith.muli %scan3A_171, %mul3A_172 : i32
      %get3A_174 = arith.index_cast %mul3A_173 : i32 to index
      %get3A_175 = tpu.vector_load %arg6[%get3A_174] {strides = array<i32>} : memref<2048xi32, #tpu.memory_space<vmem>>, vector<16xi32>,
      %broadcast_in_dim3A_176 = arith.constant true
      %broadcast_in_dim3A_177 = vector.broadcast %broadcast_in_dim3A_176 : i1 to vector<16xi1>
      %masked_cumsum3A_178 = tpu.scan <sum>, %get3A_175 masked %broadcast_in_dim3A_177 : vector<16xi32>, vector<16xi1> -> vector<16xi32>
      %add3A_179 = vector.broadcast %add3A_169 : i32 to vector<16xi32>
      %add3A_180 = arith.addi %add3A_179, %masked_cumsum3A_178 : vector<16xi32>
      %sub3A_181 = arith.subi %add3A_180, %get3A_175 : vector<16xi32>
      %mul3A_182 = arith.constant 16 : i32
      %mul3A_183 = arith.muli %scan3A_171, %mul3A_182 : i32
      %add3A_184 = arith.addi %mul3A_5, %mul3A_183 : i32
      %add3A_185 = vector.broadcast %add3A_184 : i32 to vector<16xi32>
      %add3A_186 = arith.addi %iota3A, %add3A_185 : vector<16xi32>
      %add3A_187 = arith.constant 0 : i32
      %add3A_188 = vector.broadcast %add3A_187 : i32 to vector<16xi32>
      %add3A_189 = arith.addi %sub3A_181, %add3A_188 : vector<16xi32>
      %gt3A_190 = arith.constant 0 : i32
      %gt3A_191 = vector.broadcast %gt3A_190 : i32 to vector<16xi32>
      %gt3A_192 = arith.cmpi sgt, %get3A_175, %gt3A_191 : vector<16xi32>
      tpu.vector_store_idx %arg7[%add3A_189], %add3A_186 masked %gt3A_192 : memref<6144xi32, #tpu.memory_space<vmem>>[vector<16xi32>], vector<16xi32>, vector<16xi1>
      %add3A_193 = arith.constant 1 : i32
      %add3A_194 = vector.broadcast %add3A_193 : i32 to vector<16xi32>
      %add3A_195 = arith.addi %sub3A_181, %add3A_194 : vector<16xi32>
      %gt3A_196 = arith.constant 1 : i32
      %gt3A_197 = vector.broadcast %gt3A_196 : i32 to vector<16xi32>
      %gt3A_198 = arith.cmpi sgt, %get3A_175, %gt3A_197 : vector<16xi32>
      tpu.vector_store_idx %arg7[%add3A_195], %add3A_186 masked %gt3A_198 : memref<6144xi32, #tpu.memory_space<vmem>>[vector<16xi32>], vector<16xi32>, vector<16xi1>
      %add3A_199 = arith.constant 2 : i32
      %add3A_200 = vector.broadcast %add3A_199 : i32 to vector<16xi32>
      %add3A_201 = arith.addi %sub3A_181, %add3A_200 : vector<16xi32>
      %gt3A_202 = arith.constant 2 : i32
      %gt3A_203 = vector.broadcast %gt3A_202 : i32 to vector<16xi32>
      %gt3A_204 = arith.cmpi sgt, %get3A_175, %gt3A_203 : vector<16xi32>
      tpu.vector_store_idx %arg7[%add3A_201], %add3A_186 masked %gt3A_204 : memref<6144xi32, #tpu.memory_space<vmem>>[vector<16xi32>], vector<16xi32>, vector<16xi1>
      %slice3A_205 = vector.extract_strided_slice %masked_cumsum3A_178 {offsets = [15], sizes = [1], strides = [1]} : vector<16xi32> to vector<1xi32>
      %squeeze3A_206 = vector.extract %slice3A_205[0] : i32 from vector<1xi32>
      %add3A_207 = arith.addi %add3A_169, %squeeze3A_206 : i32
      %scan3A_208 = arith.constant 2 : i32
      %scan3A_209 = arith.addi %scan3A_136, %scan3A_208 : i32
      %mul3A_210 = arith.constant 16 : i32
      %mul3A_211 = arith.muli %scan3A_209, %mul3A_210 : i32
      %get3A_212 = arith.index_cast %mul3A_211 : i32 to index
      %get3A_213 = tpu.vector_load %arg6[%get3A_212] {strides = array<i32>} : memref<2048xi32, #tpu.memory_space<vmem>>, vector<16xi32>,
      %broadcast_in_dim3A_214 = arith.constant true
      %broadcast_in_dim3A_215 = vector.broadcast %broadcast_in_dim3A_214 : i1 to vector<16xi1>
      %masked_cumsum3A_216 = tpu.scan <sum>, %get3A_213 masked %broadcast_in_dim3A_215 : vector<16xi32>, vector<16xi1> -> vector<16xi32>
      %add3A_217 = vector.broadcast %add3A_207 : i32 to vector<16xi32>
      %add3A_218 = arith.addi %add3A_217, %masked_cumsum3A_216 : vector<16xi32>
      %sub3A_219 = arith.subi %add3A_218, %get3A_213 : vector<16xi32>
      %mul3A_220 = arith.constant 16 : i32
      %mul3A_221 = arith.muli %scan3A_209, %mul3A_220 : i32
      %add3A_222 = arith.addi %mul3A_5, %mul3A_221 : i32
      %add3A_223 = vector.broadcast %add3A_222 : i32 to vector<16xi32>
      %add3A_224 = arith.addi %iota3A, %add3A_223 : vector<16xi32>
      %add3A_225 = arith.constant 0 : i32
      %add3A_226 = vector.broadcast %add3A_225 : i32 to vector<16xi32>
      %add3A_227 = arith.addi %sub3A_219, %add3A_226 : vector<16xi32>
      %gt3A_228 = arith.constant 0 : i32
      %gt3A_229 = vector.broadcast %gt3A_228 : i32 to vector<16xi32>
      %gt3A_230 = arith.cmpi sgt, %get3A_213, %gt3A_229 : vector<16xi32>
      tpu.vector_store_idx %arg7[%add3A_227], %add3A_224 masked %gt3A_230 : memref<6144xi32, #tpu.memory_space<vmem>>[vector<16xi32>], vector<16xi32>, vector<16xi1>
      %add3A_231 = arith.constant 1 : i32
      %add3A_232 = vector.broadcast %add3A_231 : i32 to vector<16xi32>
      %add3A_233 = arith.addi %sub3A_219, %add3A_232 : vector<16xi32>
      %gt3A_234 = arith.constant 1 : i32
      %gt3A_235 = vector.broadcast %gt3A_234 : i32 to vector<16xi32>
      %gt3A_236 = arith.cmpi sgt, %get3A_213, %gt3A_235 : vector<16xi32>
      tpu.vector_store_idx %arg7[%add3A_233], %add3A_224 masked %gt3A_236 : memref<6144xi32, #tpu.memory_space<vmem>>[vector<16xi32>], vector<16xi32>, vector<16xi1>
      %add3A_237 = arith.constant 2 : i32
      %add3A_238 = vector.broadcast %add3A_237 : i32 to vector<16xi32>
      %add3A_239 = arith.addi %sub3A_219, %add3A_238 : vector<16xi32>
      %gt3A_240 = arith.constant 2 : i32
      %gt3A_241 = vector.broadcast %gt3A_240 : i32 to vector<16xi32>
      %gt3A_242 = arith.cmpi sgt, %get3A_213, %gt3A_241 : vector<16xi32>
      tpu.vector_store_idx %arg7[%add3A_239], %add3A_224 masked %gt3A_242 : memref<6144xi32, #tpu.memory_space<vmem>>[vector<16xi32>], vector<16xi32>, vector<16xi1>
      %slice3A_243 = vector.extract_strided_slice %masked_cumsum3A_216 {offsets = [15], sizes = [1], strides = [1]} : vector<16xi32> to vector<1xi32>
      %squeeze3A_244 = vector.extract %slice3A_243[0] : i32 from vector<1xi32>
      %add3A_245 = arith.addi %add3A_207, %squeeze3A_244 : i32
      %scan3A_246 = arith.constant 3 : i32
      %scan3A_247 = arith.addi %scan3A_136, %scan3A_246 : i32
      %mul3A_248 = arith.constant 16 : i32
      %mul3A_249 = arith.muli %scan3A_247, %mul3A_248 : i32
      %get3A_250 = arith.index_cast %mul3A_249 : i32 to index
      %get3A_251 = tpu.vector_load %arg6[%get3A_250] {strides = array<i32>} : memref<2048xi32, #tpu.memory_space<vmem>>, vector<16xi32>,
      %broadcast_in_dim3A_252 = arith.constant true
      %broadcast_in_dim3A_253 = vector.broadcast %broadcast_in_dim3A_252 : i1 to vector<16xi1>
      %masked_cumsum3A_254 = tpu.scan <sum>, %get3A_251 masked %broadcast_in_dim3A_253 : vector<16xi32>, vector<16xi1> -> vector<16xi32>
      %add3A_255 = vector.broadcast %add3A_245 : i32 to vector<16xi32>
      %add3A_256 = arith.addi %add3A_255, %masked_cumsum3A_254 : vector<16xi32>
      %sub3A_257 = arith.subi %add3A_256, %get3A_251 : vector<16xi32>
      %mul3A_258 = arith.constant 16 : i32
      %mul3A_259 = arith.muli %scan3A_247, %mul3A_258 : i32
      %add3A_260 = arith.addi %mul3A_5, %mul3A_259 : i32
      %add3A_261 = vector.broadcast %add3A_260 : i32 to vector<16xi32>
      %add3A_262 = arith.addi %iota3A, %add3A_261 : vector<16xi32>
      %add3A_263 = arith.constant 0 : i32
      %add3A_264 = vector.broadcast %add3A_263 : i32 to vector<16xi32>
      %add3A_265 = arith.addi %sub3A_257, %add3A_264 : vector<16xi32>
      %gt3A_266 = arith.constant 0 : i32
      %gt3A_267 = vector.broadcast %gt3A_266 : i32 to vector<16xi32>
      %gt3A_268 = arith.cmpi sgt, %get3A_251, %gt3A_267 : vector<16xi32>
      tpu.vector_store_idx %arg7[%add3A_265], %add3A_262 masked %gt3A_268 : memref<6144xi32, #tpu.memory_space<vmem>>[vector<16xi32>], vector<16xi32>, vector<16xi1>
      %add3A_269 = arith.constant 1 : i32
      %add3A_270 = vector.broadcast %add3A_269 : i32 to vector<16xi32>
      %add3A_271 = arith.addi %sub3A_257, %add3A_270 : vector<16xi32>
      %gt3A_272 = arith.constant 1 : i32
      %gt3A_273 = vector.broadcast %gt3A_272 : i32 to vector<16xi32>
      %gt3A_274 = arith.cmpi sgt, %get3A_251, %gt3A_273 : vector<16xi32>
      tpu.vector_store_idx %arg7[%add3A_271], %add3A_262 masked %gt3A_274 : memref<6144xi32, #tpu.memory_space<vmem>>[vector<16xi32>], vector<16xi32>, vector<16xi1>
      %add3A_275 = arith.constant 2 : i32
      %add3A_276 = vector.broadcast %add3A_275 : i32 to vector<16xi32>
      %add3A_277 = arith.addi %sub3A_257, %add3A_276 : vector<16xi32>
      %gt3A_278 = arith.constant 2 : i32
      %gt3A_279 = vector.broadcast %gt3A_278 : i32 to vector<16xi32>
      %gt3A_280 = arith.cmpi sgt, %get3A_251, %gt3A_279 : vector<16xi32>
      tpu.vector_store_idx %arg7[%add3A_277], %add3A_262 masked %gt3A_280 : memref<6144xi32, #tpu.memory_space<vmem>>[vector<16xi32>], vector<16xi32>, vector<16xi1>
      %slice3A_281 = vector.extract_strided_slice %masked_cumsum3A_254 {offsets = [15], sizes = [1], strides = [1]} : vector<16xi32> to vector<1xi32>
      %squeeze3A_282 = vector.extract %slice3A_281[0] : i32 from vector<1xi32>
      %add3A_283 = arith.addi %add3A_245, %squeeze3A_282 : i32
      scf.yield %add3A_283 : i32
    }
    %scan3A_24 = arith.constant 128 : i32
    %mul3A_25 = arith.constant 6144 : i32
    %mul3A_26 = arith.muli %arg1, %mul3A_25 : i32
    %jit3A = arith.constant 128 : i32
    %div3A = arith.divsi %scan3A_23, %jit3A : i32
    %sign3A = arith.constant 0 : i32
    %sign3A_27 = arith.cmpi sgt, %scan3A_23, %sign3A : i32
    %sign3A_28 = arith.extui %sign3A_27 : i1 to i32
    %sign3A_29 = arith.constant 0 : i32
    %sign3A_30 = arith.cmpi slt, %scan3A_23, %sign3A_29 : i32
    %sign3A_31 = arith.extui %sign3A_30 : i1 to i32
    %sign3A_32 = arith.subi %sign3A_28, %sign3A_31 : i32
    %sign3A_33 = arith.constant 0 : i32
    %sign3A_34 = arith.cmpi sgt, %jit3A, %sign3A_33 : i32
    %sign3A_35 = arith.extui %sign3A_34 : i1 to i32
    %sign3A_36 = arith.constant 0 : i32
    %sign3A_37 = arith.cmpi slt, %jit3A, %sign3A_36 : i32
    %sign3A_38 = arith.extui %sign3A_37 : i1 to i32
    %sign3A_39 = arith.subi %sign3A_35, %sign3A_38 : i32
    %ne3A = arith.cmpi ne, %sign3A_32, %sign3A_39 : i32
    %rem3A = arith.remsi %scan3A_23, %jit3A : i32
    %ne3A_40 = arith.constant 0 : i32
    %ne3A_41 = arith.cmpi ne, %rem3A, %ne3A_40 : i32
    %and3A = arith.andi %ne3A, %ne3A_41 : i1
    %sub3A = arith.constant 1 : i32
    %sub3A_42 = arith.subi %div3A, %sub3A : i32
    %select_n3A = arith.select %and3A, %sub3A_42, %div3A : i32
    %mul3A_43 = arith.constant 128 : i32
    %mul3A_44 = arith.muli %select_n3A, %mul3A_43 : i32
    %sub3A_45 = arith.subi %scan3A_23, %mul3A_44 : i32
    %add3A = arith.constant 1 : i32
    %add3A_46 = arith.addi %select_n3A, %add3A : i32
    %sub3A_47 = arith.subi %add3A_46, %arg0 : i32
    %jit3A_48 = arith.constant 2 : i32
    %div3A_49 = arith.divsi %sub3A_47, %jit3A_48 : i32
    %sign3A_50 = arith.constant 0 : i32
    %sign3A_51 = arith.cmpi sgt, %sub3A_47, %sign3A_50 : i32
    %sign3A_52 = arith.extui %sign3A_51 : i1 to i32
    %sign3A_53 = arith.constant 0 : i32
    %sign3A_54 = arith.cmpi slt, %sub3A_47, %sign3A_53 : i32
    %sign3A_55 = arith.extui %sign3A_54 : i1 to i32
    %sign3A_56 = arith.subi %sign3A_52, %sign3A_55 : i32
    %sign3A_57 = arith.constant 0 : i32
    %sign3A_58 = arith.cmpi sgt, %jit3A_48, %sign3A_57 : i32
    %sign3A_59 = arith.extui %sign3A_58 : i1 to i32
    %sign3A_60 = arith.constant 0 : i32
    %sign3A_61 = arith.cmpi slt, %jit3A_48, %sign3A_60 : i32
    %sign3A_62 = arith.extui %sign3A_61 : i1 to i32
    %sign3A_63 = arith.subi %sign3A_59, %sign3A_62 : i32
    %ne3A_64 = arith.cmpi ne, %sign3A_56, %sign3A_63 : i32
    %rem3A_65 = arith.remsi %sub3A_47, %jit3A_48 : i32
    %ne3A_66 = arith.constant 0 : i32
    %ne3A_67 = arith.cmpi ne, %rem3A_65, %ne3A_66 : i32
    %and3A_68 = arith.andi %ne3A_64, %ne3A_67 : i1
    %sub3A_69 = arith.constant 1 : i32
    %sub3A_70 = arith.subi %div3A_49, %sub3A_69 : i32
    %select_n3A_71 = arith.select %and3A_68, %sub3A_70, %div3A_49 : i32
    %gt3A = arith.constant 0 : i32
    %gt3A_72 = arith.cmpi sgt, %sub3A_45, %gt3A : i32
    %and3A_73 = arith.constant 1 : i32
    %and3A_74 = arith.andi %select_n3A, %and3A_73 : i32
    %eq3A = arith.cmpi eq, %and3A_74, %arg0 : i32
    %and3A_75 = arith.andi %gt3A_72, %eq3A : i1
    %gt3A_76 = arith.constant 0 : i32
    %gt3A_77 = arith.cmpi sgt, %select_n3A_71, %gt3A_76 : i32
    %convert_element_type3A = arith.extui %gt3A_77 : i1 to i32
    %cond3A = arith.constant 0 : i32
    %cond3A_78 = arith.cmpi ne, %convert_element_type3A, %cond3A : i32
    scf.if %cond3A_78 {
      %add3A_136 = arith.constant 0 : i32
      %add3A_137 = arith.addi %arg0, %add3A_136 : i32
      %mul3A_138 = arith.constant 128 : i32
      %mul3A_139 = arith.muli %add3A_137, %mul3A_138 : i32
      %dma_start3A_140 = tpu.memref_slice %arg7[%mul3A_139] : memref<6144xi32, #tpu.memory_space<vmem>> -> memref<128xi32, #tpu.memory_space<vmem>>
      %dma_start3A_141 = arith.constant 0 : i32
      %dma_start3A_142 = arith.constant 0 : i32
      %dma_start3A_143 = tpu.memref_slice %arg2[%dma_start3A_141, %dma_start3A_142] : memref<32768x256xf32, #tpu.memory_space<hbm>> -> memref<32768x256xf32, #tpu.memory_space<hbm>>
      tpu.enqueue_indirect_dma source(%dma_start3A_143 : memref<32768x256xf32, #tpu.memory_space<hbm>>) target(%arg8 : memref<128x256xf32, #tpu.memory_space<vmem>>) offsets(%dma_start3A_140 : memref<128xi32, #tpu.memory_space<vmem>>) semaphore(%arg12 : memref<!tpu.dma_semaphore, #tpu.memory_space<semaphore_mem>>)
    } else {
    }
    %scan3A_79 = arith.constant 0 : i32
    %scan3A_80 = arith.constant 0 : i32
    %scan3A_81 = arith.constant 128 : i32
    %scan3A_82 = arith.addi %scan3A_80, %scan3A_81 : i32
    %scan3A_83 = arith.constant 2 : i32
    %scan3A_84 = scf.for %scan3A_136 = %scan3A_80 to %scan3A_82 step %scan3A_83 iter_args(%scan3A_137 = %scan3A_79) -> (i32)  : i32 {
      %swap3A = arith.index_cast %scan3A_136 : i32 to index
      %swap3A_138 = arith.constant 0 : index
      %swap3A_139 = tpu.vector_load %arg10[%swap3A, %swap3A_138] {strides = array<i32>} : memref<128x256xf32, #tpu.memory_space<vmem>>, vector<16xf32>,
      tpu.vector_store %arg10[%swap3A, %swap3A_138], %broadcast_in_dim3A_6 {strides = array<i32>} : memref<128x256xf32, #tpu.memory_space<vmem>>, vector<16xf32>,
      %swap3A_140 = arith.index_cast %scan3A_136 : i32 to index
      %swap3A_141 = arith.constant 16 : index
      %swap3A_142 = tpu.vector_load %arg10[%swap3A_140, %swap3A_141] {strides = array<i32>} : memref<128x256xf32, #tpu.memory_space<vmem>>, vector<16xf32>,
      tpu.vector_store %arg10[%swap3A_140, %swap3A_141], %broadcast_in_dim3A_6 {strides = array<i32>} : memref<128x256xf32, #tpu.memory_space<vmem>>, vector<16xf32>,
      %swap3A_143 = arith.index_cast %scan3A_136 : i32 to index
      %swap3A_144 = arith.constant 32 : index
      %swap3A_145 = tpu.vector_load %arg10[%swap3A_143, %swap3A_144] {strides = array<i32>} : memref<128x256xf32, #tpu.memory_space<vmem>>, vector<16xf32>,
      tpu.vector_store %arg10[%swap3A_143, %swap3A_144], %broadcast_in_dim3A_6 {strides = array<i32>} : memref<128x256xf32, #tpu.memory_space<vmem>>, vector<16xf32>,
      %swap3A_146 = arith.index_cast %scan3A_136 : i32 to index
      %swap3A_147 = arith.constant 48 : index
      %swap3A_148 = tpu.vector_load %arg10[%swap3A_146, %swap3A_147] {strides = array<i32>} : memref<128x256xf32, #tpu.memory_space<vmem>>, vector<16xf32>,
      tpu.vector_store %arg10[%swap3A_146, %swap3A_147], %broadcast_in_dim3A_6 {strides = array<i32>} : memref<128x256xf32, #tpu.memory_space<vmem>>, vector<16xf32>,
      %swap3A_149 = arith.index_cast %scan3A_136 : i32 to index
      %swap3A_150 = arith.constant 64 : index
      %swap3A_151 = tpu.vector_load %arg10[%swap3A_149, %swap3A_150] {strides = array<i32>} : memref<128x256xf32, #tpu.memory_space<vmem>>, vector<16xf32>,
      tpu.vector_store %arg10[%swap3A_149, %swap3A_150], %broadcast_in_dim3A_6 {strides = array<i32>} : memref<128x256xf32, #tpu.memory_space<vmem>>, vector<16xf32>,
      %swap3A_152 = arith.index_cast %scan3A_136 : i32 to index
      %swap3A_153 = arith.constant 80 : index
      %swap3A_154 = tpu.vector_load %arg10[%swap3A_152, %swap3A_153] {strides = array<i32>} : memref<128x256xf32, #tpu.memory_space<vmem>>, vector<16xf32>,
      tpu.vector_store %arg10[%swap3A_152, %swap3A_153], %broadcast_in_dim3A_6 {strides = array<i32>} : memref<128x256xf32, #tpu.memory_space<vmem>>, vector<16xf32>,
      %swap3A_155 = arith.index_cast %scan3A_136 : i32 to index
      %swap3A_156 = arith.constant 96 : index
      %swap3A_157 = tpu.vector_load %arg10[%swap3A_155, %swap3A_156] {strides = array<i32>} : memref<128x256xf32, #tpu.memory_space<vmem>>, vector<16xf32>,
      tpu.vector_store %arg10[%swap3A_155, %swap3A_156], %broadcast_in_dim3A_6 {strides = array<i32>} : memref<128x256xf32, #tpu.memory_space<vmem>>, vector<16xf32>,
      %swap3A_158 = arith.index_cast %scan3A_136 : i32 to index
      %swap3A_159 = arith.constant 112 : index
      %swap3A_160 = tpu.vector_load %arg10[%swap3A_158, %swap3A_159] {strides = array<i32>} : memref<128x256xf32, #tpu.memory_space<vmem>>, vector<16xf32>,
      tpu.vector_store %arg10[%swap3A_158, %swap3A_159], %broadcast_in_dim3A_6 {strides = array<i32>} : memref<128x256xf32, #tpu.memory_space<vmem>>, vector<16xf32>,
      %swap3A_161 = arith.index_cast %scan3A_136 : i32 to index
      %swap3A_162 = arith.constant 128 : index
      %swap3A_163 = tpu.vector_load %arg10[%swap3A_161, %swap3A_162] {strides = array<i32>} : memref<128x256xf32, #tpu.memory_space<vmem>>, vector<16xf32>,
      tpu.vector_store %arg10[%swap3A_161, %swap3A_162], %broadcast_in_dim3A_6 {strides = array<i32>} : memref<128x256xf32, #tpu.memory_space<vmem>>, vector<16xf32>,
      %swap3A_164 = arith.index_cast %scan3A_136 : i32 to index
      %swap3A_165 = arith.constant 144 : index
      %swap3A_166 = tpu.vector_load %arg10[%swap3A_164, %swap3A_165] {strides = array<i32>} : memref<128x256xf32, #tpu.memory_space<vmem>>, vector<16xf32>,
      tpu.vector_store %arg10[%swap3A_164, %swap3A_165], %broadcast_in_dim3A_6 {strides = array<i32>} : memref<128x256xf32, #tpu.memory_space<vmem>>, vector<16xf32>,
      %swap3A_167 = arith.index_cast %scan3A_136 : i32 to index
      %swap3A_168 = arith.constant 160 : index
      %swap3A_169 = tpu.vector_load %arg10[%swap3A_167, %swap3A_168] {strides = array<i32>} : memref<128x256xf32, #tpu.memory_space<vmem>>, vector<16xf32>,
      tpu.vector_store %arg10[%swap3A_167, %swap3A_168], %broadcast_in_dim3A_6 {strides = array<i32>} : memref<128x256xf32, #tpu.memory_space<vmem>>, vector<16xf32>,
      %swap3A_170 = arith.index_cast %scan3A_136 : i32 to index
      %swap3A_171 = arith.constant 176 : index
      %swap3A_172 = tpu.vector_load %arg10[%swap3A_170, %swap3A_171] {strides = array<i32>} : memref<128x256xf32, #tpu.memory_space<vmem>>, vector<16xf32>,
      tpu.vector_store %arg10[%swap3A_170, %swap3A_171], %broadcast_in_dim3A_6 {strides = array<i32>} : memref<128x256xf32, #tpu.memory_space<vmem>>, vector<16xf32>,
      %swap3A_173 = arith.index_cast %scan3A_136 : i32 to index
      %swap3A_174 = arith.constant 192 : index
      %swap3A_175 = tpu.vector_load %arg10[%swap3A_173, %swap3A_174] {strides = array<i32>} : memref<128x256xf32, #tpu.memory_space<vmem>>, vector<16xf32>,
      tpu.vector_store %arg10[%swap3A_173, %swap3A_174], %broadcast_in_dim3A_6 {strides = array<i32>} : memref<128x256xf32, #tpu.memory_space<vmem>>, vector<16xf32>,
      %swap3A_176 = arith.index_cast %scan3A_136 : i32 to index
      %swap3A_177 = arith.constant 208 : index
      %swap3A_178 = tpu.vector_load %arg10[%swap3A_176, %swap3A_177] {strides = array<i32>} : memref<128x256xf32, #tpu.memory_space<vmem>>, vector<16xf32>,
      tpu.vector_store %arg10[%swap3A_176, %swap3A_177], %broadcast_in_dim3A_6 {strides = array<i32>} : memref<128x256xf32, #tpu.memory_space<vmem>>, vector<16xf32>,
      %swap3A_179 = arith.index_cast %scan3A_136 : i32 to index
      %swap3A_180 = arith.constant 224 : index
      %swap3A_181 = tpu.vector_load %arg10[%swap3A_179, %swap3A_180] {strides = array<i32>} : memref<128x256xf32, #tpu.memory_space<vmem>>, vector<16xf32>,
      tpu.vector_store %arg10[%swap3A_179, %swap3A_180], %broadcast_in_dim3A_6 {strides = array<i32>} : memref<128x256xf32, #tpu.memory_space<vmem>>, vector<16xf32>,
      %swap3A_182 = arith.index_cast %scan3A_136 : i32 to index
      %swap3A_183 = arith.constant 240 : index
      %swap3A_184 = tpu.vector_load %arg10[%swap3A_182, %swap3A_183] {strides = array<i32>} : memref<128x256xf32, #tpu.memory_space<vmem>>, vector<16xf32>,
      tpu.vector_store %arg10[%swap3A_182, %swap3A_183], %broadcast_in_dim3A_6 {strides = array<i32>} : memref<128x256xf32, #tpu.memory_space<vmem>>, vector<16xf32>,
      %scan3A_185 = arith.constant 0 : i32
      %scan3A_186 = arith.constant 1 : i32
      %scan3A_187 = arith.addi %scan3A_136, %scan3A_186 : i32
      %swap3A_188 = arith.index_cast %scan3A_187 : i32 to index
      %swap3A_189 = arith.constant 0 : index
      %swap3A_190 = tpu.vector_load %arg10[%swap3A_188, %swap3A_189] {strides = array<i32>} : memref<128x256xf32, #tpu.memory_space<vmem>>, vector<16xf32>,
      tpu.vector_store %arg10[%swap3A_188, %swap3A_189], %broadcast_in_dim3A_6 {strides = array<i32>} : memref<128x256xf32, #tpu.memory_space<vmem>>, vector<16xf32>,
      %swap3A_191 = arith.index_cast %scan3A_187 : i32 to index
      %swap3A_192 = arith.constant 16 : index
      %swap3A_193 = tpu.vector_load %arg10[%swap3A_191, %swap3A_192] {strides = array<i32>} : memref<128x256xf32, #tpu.memory_space<vmem>>, vector<16xf32>,
      tpu.vector_store %arg10[%swap3A_191, %swap3A_192], %broadcast_in_dim3A_6 {strides = array<i32>} : memref<128x256xf32, #tpu.memory_space<vmem>>, vector<16xf32>,
      %swap3A_194 = arith.index_cast %scan3A_187 : i32 to index
      %swap3A_195 = arith.constant 32 : index
      %swap3A_196 = tpu.vector_load %arg10[%swap3A_194, %swap3A_195] {strides = array<i32>} : memref<128x256xf32, #tpu.memory_space<vmem>>, vector<16xf32>,
      tpu.vector_store %arg10[%swap3A_194, %swap3A_195], %broadcast_in_dim3A_6 {strides = array<i32>} : memref<128x256xf32, #tpu.memory_space<vmem>>, vector<16xf32>,
      %swap3A_197 = arith.index_cast %scan3A_187 : i32 to index
      %swap3A_198 = arith.constant 48 : index
      %swap3A_199 = tpu.vector_load %arg10[%swap3A_197, %swap3A_198] {strides = array<i32>} : memref<128x256xf32, #tpu.memory_space<vmem>>, vector<16xf32>,
      tpu.vector_store %arg10[%swap3A_197, %swap3A_198], %broadcast_in_dim3A_6 {strides = array<i32>} : memref<128x256xf32, #tpu.memory_space<vmem>>, vector<16xf32>,
      %swap3A_200 = arith.index_cast %scan3A_187 : i32 to index
      %swap3A_201 = arith.constant 64 : index
      %swap3A_202 = tpu.vector_load %arg10[%swap3A_200, %swap3A_201] {strides = array<i32>} : memref<128x256xf32, #tpu.memory_space<vmem>>, vector<16xf32>,
      tpu.vector_store %arg10[%swap3A_200, %swap3A_201], %broadcast_in_dim3A_6 {strides = array<i32>} : memref<128x256xf32, #tpu.memory_space<vmem>>, vector<16xf32>,
      %swap3A_203 = arith.index_cast %scan3A_187 : i32 to index
      %swap3A_204 = arith.constant 80 : index
      %swap3A_205 = tpu.vector_load %arg10[%swap3A_203, %swap3A_204] {strides = array<i32>} : memref<128x256xf32, #tpu.memory_space<vmem>>, vector<16xf32>,
      tpu.vector_store %arg10[%swap3A_203, %swap3A_204], %broadcast_in_dim3A_6 {strides = array<i32>} : memref<128x256xf32, #tpu.memory_space<vmem>>, vector<16xf32>,
      %swap3A_206 = arith.index_cast %scan3A_187 : i32 to index
      %swap3A_207 = arith.constant 96 : index
      %swap3A_208 = tpu.vector_load %arg10[%swap3A_206, %swap3A_207] {strides = array<i32>} : memref<128x256xf32, #tpu.memory_space<vmem>>, vector<16xf32>,
      tpu.vector_store %arg10[%swap3A_206, %swap3A_207], %broadcast_in_dim3A_6 {strides = array<i32>} : memref<128x256xf32, #tpu.memory_space<vmem>>, vector<16xf32>,
      %swap3A_209 = arith.index_cast %scan3A_187 : i32 to index
      %swap3A_210 = arith.constant 112 : index
      %swap3A_211 = tpu.vector_load %arg10[%swap3A_209, %swap3A_210] {strides = array<i32>} : memref<128x256xf32, #tpu.memory_space<vmem>>, vector<16xf32>,
      tpu.vector_store %arg10[%swap3A_209, %swap3A_210], %broadcast_in_dim3A_6 {strides = array<i32>} : memref<128x256xf32, #tpu.memory_space<vmem>>, vector<16xf32>,
      %swap3A_212 = arith.index_cast %scan3A_187 : i32 to index
      %swap3A_213 = arith.constant 128 : index
      %swap3A_214 = tpu.vector_load %arg10[%swap3A_212, %swap3A_213] {strides = array<i32>} : memref<128x256xf32, #tpu.memory_space<vmem>>, vector<16xf32>,
      tpu.vector_store %arg10[%swap3A_212, %swap3A_213], %broadcast_in_dim3A_6 {strides = array<i32>} : memref<128x256xf32, #tpu.memory_space<vmem>>, vector<16xf32>,
      %swap3A_215 = arith.index_cast %scan3A_187 : i32 to index
      %swap3A_216 = arith.constant 144 : index
      %swap3A_217 = tpu.vector_load %arg10[%swap3A_215, %swap3A_216] {strides = array<i32>} : memref<128x256xf32, #tpu.memory_space<vmem>>, vector<16xf32>,
      tpu.vector_store %arg10[%swap3A_215, %swap3A_216], %broadcast_in_dim3A_6 {strides = array<i32>} : memref<128x256xf32, #tpu.memory_space<vmem>>, vector<16xf32>,
      %swap3A_218 = arith.index_cast %scan3A_187 : i32 to index
      %swap3A_219 = arith.constant 160 : index
      %swap3A_220 = tpu.vector_load %arg10[%swap3A_218, %swap3A_219] {strides = array<i32>} : memref<128x256xf32, #tpu.memory_space<vmem>>, vector<16xf32>,
      tpu.vector_store %arg10[%swap3A_218, %swap3A_219], %broadcast_in_dim3A_6 {strides = array<i32>} : memref<128x256xf32, #tpu.memory_space<vmem>>, vector<16xf32>,
      %swap3A_221 = arith.index_cast %scan3A_187 : i32 to index
      %swap3A_222 = arith.constant 176 : index
      %swap3A_223 = tpu.vector_load %arg10[%swap3A_221, %swap3A_222] {strides = array<i32>} : memref<128x256xf32, #tpu.memory_space<vmem>>, vector<16xf32>,
      tpu.vector_store %arg10[%swap3A_221, %swap3A_222], %broadcast_in_dim3A_6 {strides = array<i32>} : memref<128x256xf32, #tpu.memory_space<vmem>>, vector<16xf32>,
      %swap3A_224 = arith.index_cast %scan3A_187 : i32 to index
      %swap3A_225 = arith.constant 192 : index
      %swap3A_226 = tpu.vector_load %arg10[%swap3A_224, %swap3A_225] {strides = array<i32>} : memref<128x256xf32, #tpu.memory_space<vmem>>, vector<16xf32>,
      tpu.vector_store %arg10[%swap3A_224, %swap3A_225], %broadcast_in_dim3A_6 {strides = array<i32>} : memref<128x256xf32, #tpu.memory_space<vmem>>, vector<16xf32>,
      %swap3A_227 = arith.index_cast %scan3A_187 : i32 to index
      %swap3A_228 = arith.constant 208 : index
      %swap3A_229 = tpu.vector_load %arg10[%swap3A_227, %swap3A_228] {strides = array<i32>} : memref<128x256xf32, #tpu.memory_space<vmem>>, vector<16xf32>,
      tpu.vector_store %arg10[%swap3A_227, %swap3A_228], %broadcast_in_dim3A_6 {strides = array<i32>} : memref<128x256xf32, #tpu.memory_space<vmem>>, vector<16xf32>,
      %swap3A_230 = arith.index_cast %scan3A_187 : i32 to index
      %swap3A_231 = arith.constant 224 : index
      %swap3A_232 = tpu.vector_load %arg10[%swap3A_230, %swap3A_231] {strides = array<i32>} : memref<128x256xf32, #tpu.memory_space<vmem>>, vector<16xf32>,
      tpu.vector_store %arg10[%swap3A_230, %swap3A_231], %broadcast_in_dim3A_6 {strides = array<i32>} : memref<128x256xf32, #tpu.memory_space<vmem>>, vector<16xf32>,
      %swap3A_233 = arith.index_cast %scan3A_187 : i32 to index
      %swap3A_234 = arith.constant 240 : index
      %swap3A_235 = tpu.vector_load %arg10[%swap3A_233, %swap3A_234] {strides = array<i32>} : memref<128x256xf32, #tpu.memory_space<vmem>>, vector<16xf32>,
      tpu.vector_store %arg10[%swap3A_233, %swap3A_234], %broadcast_in_dim3A_6 {strides = array<i32>} : memref<128x256xf32, #tpu.memory_space<vmem>>, vector<16xf32>,
      %scan3A_236 = arith.constant 0 : i32
      scf.yield %scan3A_236 : i32
    }
    %scan3A_85 = arith.constant 128 : i32
    %while3A = arith.constant 0 : i32
    %while3A_86 = arith.constant 0 : i32
    %while3A_87 = arith.subi %select_n3A_71, %while3A : i32
    %while3A_88 = arith.addi %while3A, %while3A_87 : i32
    %while3A_89 = arith.constant 1 : i32
    %while3A_90 = arith.divsi %while3A_87, %while3A_89 : i32
    %while3A_91 = arith.muli %while3A_90, %while3A_89 : i32
    %while3A_92 = arith.addi %while3A, %while3A_91 : i32
    %while3A_93 = arith.constant 1 : i32
    %while3A_94 = scf.for %while3A_136 = %while3A to %while3A_92 step %while3A_93 iter_args(%while3A_137 = %while3A_86) -> (i32)  : i32 {
      %jit3A_138 = arith.constant 2 : i32
      %eq3A_139 = arith.constant 0 : i32
      %eq3A_140 = arith.cmpi eq, %jit3A_138, %eq3A_139 : i32
      %jit3A_141 = arith.constant 1 : i32
      %select_n3A_142 = arith.select %eq3A_140, %jit3A_141, %jit3A_138 : i32
      %rem3A_143 = arith.remsi %while3A_136, %select_n3A_142 : i32
      %ne3A_144 = arith.constant 0 : i32
      %ne3A_145 = arith.cmpi ne, %rem3A_143, %ne3A_144 : i32
      %lt3A = arith.constant 0 : i32
      %lt3A_146 = arith.cmpi slt, %rem3A_143, %lt3A : i32
      %lt3A_147 = arith.constant 0 : i32
      %lt3A_148 = arith.cmpi slt, %select_n3A_142, %lt3A_147 : i32
      %ne3A_149 = arith.xori %lt3A_146, %lt3A_148 : i1
      %and3A_150 = arith.andi %ne3A_149, %ne3A_145 : i1
      %add3A_151 = arith.addi %rem3A_143, %select_n3A_142 : i32
      %select_n3A_152 = arith.select %and3A_150, %add3A_151, %rem3A_143 : i32
      %eq3A_153 = arith.constant 0 : i32
      %eq3A_154 = arith.cmpi eq, %select_n3A_152, %eq3A_153 : i32
      %convert_element_type3A_155 = arith.extui %eq3A_154 : i1 to i32
      %cond3A_156 = arith.constant 0 : i32
      %cond3A_157 = arith.cmpi ne, %convert_element_type3A_155, %cond3A_156 : i32
      scf.if %cond3A_157 {
        %ge3A = arith.constant 1 : i32
        %ge3A_180 = arith.cmpi sge, %while3A_136, %ge3A : i32
        %convert_element_type3A_181 = arith.extui %ge3A_180 : i1 to i32
        %cond3A_182 = arith.constant 0 : i32
        %cond3A_183 = arith.cmpi ne, %convert_element_type3A_181, %cond3A_182 : i32
        scf.if %cond3A_183 {
          %mul3A_209 = arith.constant 2 : i32
          %mul3A_210 = arith.muli %mul3A_209, %while3A_136 : i32
          %add3A_211 = arith.addi %arg0, %mul3A_210 : i32
          %mul3A_212 = arith.constant 128 : i32
          %mul3A_213 = arith.muli %add3A_211, %mul3A_212 : i32
          %add3A_214 = arith.addi %mul3A_26, %mul3A_213 : i32
          %dma_wait3A_215 = arith.constant 0 : i32
          %dma_wait3A_216 = tpu.memref_slice %arg4[%add3A_214, %dma_wait3A_215] : memref<98304x256xf32, #tpu.memory_space<hbm>> -> memref<128x256xf32, #tpu.memory_space<hbm>>
          %dma_wait3A_217 = arith.constant 0 : i32
          %dma_wait3A_218 = tpu.memref_slice %arg4[%add3A_214, %dma_wait3A_217] : memref<98304x256xf32, #tpu.memory_space<hbm>> -> memref<128x256xf32, #tpu.memory_space<hbm>>
          tpu.wait_dma2 semaphore(%arg14 : memref<!tpu.dma_semaphore, #tpu.memory_space<semaphore_mem>>) src(%arg9 : memref<128x256xf32, #tpu.memory_space<vmem>>) dst(%dma_wait3A_218 : memref<128x256xf32, #tpu.memory_space<hbm>>)
        } else {
        }
        %add3A_184 = arith.constant 1 : i32
        %add3A_185 = arith.addi %while3A_136, %add3A_184 : i32
        %lt3A_186 = arith.cmpi slt, %add3A_185, %select_n3A_71 : i32
        %convert_element_type3A_187 = arith.extui %lt3A_186 : i1 to i32
        %cond3A_188 = arith.constant 0 : i32
        %cond3A_189 = arith.cmpi ne, %convert_element_type3A_187, %cond3A_188 : i32
        scf.if %cond3A_189 {
          %add3A_209 = arith.constant 1 : i32
          %add3A_210 = arith.addi %while3A_136, %add3A_209 : i32
          %mul3A_211 = arith.constant 2 : i32
          %mul3A_212 = arith.muli %mul3A_211, %add3A_210 : i32
          %add3A_213 = arith.addi %arg0, %mul3A_212 : i32
          %mul3A_214 = arith.constant 128 : i32
          %mul3A_215 = arith.muli %add3A_213, %mul3A_214 : i32
          %dma_start3A_216 = tpu.memref_slice %arg7[%mul3A_215] : memref<6144xi32, #tpu.memory_space<vmem>> -> memref<128xi32, #tpu.memory_space<vmem>>
          %dma_start3A_217 = arith.constant 0 : i32
          %dma_start3A_218 = arith.constant 0 : i32
          %dma_start3A_219 = tpu.memref_slice %arg2[%dma_start3A_217, %dma_start3A_218] : memref<32768x256xf32, #tpu.memory_space<hbm>> -> memref<32768x256xf32, #tpu.memory_space<hbm>>
          tpu.enqueue_indirect_dma source(%dma_start3A_219 : memref<32768x256xf32, #tpu.memory_space<hbm>>) target(%arg9 : memref<128x256xf32, #tpu.memory_space<vmem>>) offsets(%dma_start3A_216 : memref<128xi32, #tpu.memory_space<vmem>>) semaphore(%arg13 : memref<!tpu.dma_semaphore, #tpu.memory_space<semaphore_mem>>)
        } else {
        }
        %mul3A_190 = arith.constant 2 : i32
        %mul3A_191 = arith.muli %mul3A_190, %while3A_136 : i32
        %add3A_192 = arith.addi %arg0, %mul3A_191 : i32
        %mul3A_193 = arith.constant 128 : i32
        %mul3A_194 = arith.muli %add3A_192, %mul3A_193 : i32
        %dma_wait3A_195 = tpu.memref_slice %arg7[%mul3A_194] : memref<6144xi32, #tpu.memory_space<vmem>> -> memref<128xi32, #tpu.memory_space<vmem>>
        %dma_wait3A_196 = arith.constant 0 : i32
        %dma_wait3A_197 = arith.constant 0 : i32
        %dma_wait3A_198 = tpu.memref_slice %arg2[%dma_wait3A_196, %dma_wait3A_197] : memref<32768x256xf32, #tpu.memory_space<hbm>> -> memref<32768x256xf32, #tpu.memory_space<hbm>>
        tpu.wait_indirect_dma semaphore(%arg12 : memref<!tpu.dma_semaphore, #tpu.memory_space<semaphore_mem>>) src(%dma_wait3A_198 : memref<32768x256xf32, #tpu.memory_space<hbm>>) dst(%arg8 : memref<128x256xf32, #tpu.memory_space<vmem>>)
        %mul3A_199 = arith.constant 2 : i32
        %mul3A_200 = arith.muli %mul3A_199, %while3A_136 : i32
        %add3A_201 = arith.addi %arg0, %mul3A_200 : i32
        %mul3A_202 = arith.constant 128 : i32
        %mul3A_203 = arith.muli %add3A_201, %mul3A_202 : i32
        %add3A_204 = arith.addi %mul3A_26, %mul3A_203 : i32
        %dma_start3A_205 = arith.constant 0 : i32
        %dma_start3A_206 = tpu.memref_slice %arg4[%add3A_204, %dma_start3A_205] : memref<98304x256xf32, #tpu.memory_space<hbm>> -> memref<128x256xf32, #tpu.memory_space<hbm>>
        %dma_start3A_207 = arith.constant 0 : i32
        %dma_start3A_208 = tpu.memref_slice %arg4[%add3A_204, %dma_start3A_207] : memref<98304x256xf32, #tpu.memory_space<hbm>> -> memref<128x256xf32, #tpu.memory_space<hbm>>
        tpu.enqueue_dma source(%arg8 : memref<128x256xf32, #tpu.memory_space<vmem>>) target(%dma_start3A_208 : memref<128x256xf32, #tpu.memory_space<hbm>>) target_semaphore(%arg14 : memref<!tpu.dma_semaphore, #tpu.memory_space<semaphore_mem>>)
      } else {
      }
      %jit3A_158 = arith.constant 2 : i32
      %eq3A_159 = arith.constant 0 : i32
      %eq3A_160 = arith.cmpi eq, %jit3A_158, %eq3A_159 : i32
      %jit3A_161 = arith.constant 1 : i32
      %select_n3A_162 = arith.select %eq3A_160, %jit3A_161, %jit3A_158 : i32
      %rem3A_163 = arith.remsi %while3A_136, %select_n3A_162 : i32
      %ne3A_164 = arith.constant 0 : i32
      %ne3A_165 = arith.cmpi ne, %rem3A_163, %ne3A_164 : i32
      %lt3A_166 = arith.constant 0 : i32
      %lt3A_167 = arith.cmpi slt, %rem3A_163, %lt3A_166 : i32
      %lt3A_168 = arith.constant 0 : i32
      %lt3A_169 = arith.cmpi slt, %select_n3A_162, %lt3A_168 : i32
      %ne3A_170 = arith.xori %lt3A_167, %lt3A_169 : i1
      %and3A_171 = arith.andi %ne3A_170, %ne3A_165 : i1
      %add3A_172 = arith.addi %rem3A_163, %select_n3A_162 : i32
      %select_n3A_173 = arith.select %and3A_171, %add3A_172, %rem3A_163 : i32
      %eq3A_174 = arith.constant 1 : i32
      %eq3A_175 = arith.cmpi eq, %select_n3A_173, %eq3A_174 : i32
      %convert_element_type3A_176 = arith.extui %eq3A_175 : i1 to i32
      %cond3A_177 = arith.constant 0 : i32
      %cond3A_178 = arith.cmpi ne, %convert_element_type3A_176, %cond3A_177 : i32
      scf.if %cond3A_178 {
        %ge3A = arith.constant 1 : i32
        %ge3A_180 = arith.cmpi sge, %while3A_136, %ge3A : i32
        %convert_element_type3A_181 = arith.extui %ge3A_180 : i1 to i32
        %cond3A_182 = arith.constant 0 : i32
        %cond3A_183 = arith.cmpi ne, %convert_element_type3A_181, %cond3A_182 : i32
        scf.if %cond3A_183 {
          %mul3A_209 = arith.constant 2 : i32
          %mul3A_210 = arith.muli %mul3A_209, %while3A_136 : i32
          %add3A_211 = arith.addi %arg0, %mul3A_210 : i32
          %mul3A_212 = arith.constant 128 : i32
          %mul3A_213 = arith.muli %add3A_211, %mul3A_212 : i32
          %add3A_214 = arith.addi %mul3A_26, %mul3A_213 : i32
          %dma_wait3A_215 = arith.constant 0 : i32
          %dma_wait3A_216 = tpu.memref_slice %arg4[%add3A_214, %dma_wait3A_215] : memref<98304x256xf32, #tpu.memory_space<hbm>> -> memref<128x256xf32, #tpu.memory_space<hbm>>
          %dma_wait3A_217 = arith.constant 0 : i32
          %dma_wait3A_218 = tpu.memref_slice %arg4[%add3A_214, %dma_wait3A_217] : memref<98304x256xf32, #tpu.memory_space<hbm>> -> memref<128x256xf32, #tpu.memory_space<hbm>>
          tpu.wait_dma2 semaphore(%arg14 : memref<!tpu.dma_semaphore, #tpu.memory_space<semaphore_mem>>) src(%arg8 : memref<128x256xf32, #tpu.memory_space<vmem>>) dst(%dma_wait3A_218 : memref<128x256xf32, #tpu.memory_space<hbm>>)
        } else {
        }
        %add3A_184 = arith.constant 1 : i32
        %add3A_185 = arith.addi %while3A_136, %add3A_184 : i32
        %lt3A_186 = arith.cmpi slt, %add3A_185, %select_n3A_71 : i32
        %convert_element_type3A_187 = arith.extui %lt3A_186 : i1 to i32
        %cond3A_188 = arith.constant 0 : i32
        %cond3A_189 = arith.cmpi ne, %convert_element_type3A_187, %cond3A_188 : i32
        scf.if %cond3A_189 {
          %add3A_209 = arith.constant 1 : i32
          %add3A_210 = arith.addi %while3A_136, %add3A_209 : i32
          %mul3A_211 = arith.constant 2 : i32
          %mul3A_212 = arith.muli %mul3A_211, %add3A_210 : i32
          %add3A_213 = arith.addi %arg0, %mul3A_212 : i32
          %mul3A_214 = arith.constant 128 : i32
          %mul3A_215 = arith.muli %add3A_213, %mul3A_214 : i32
          %dma_start3A_216 = tpu.memref_slice %arg7[%mul3A_215] : memref<6144xi32, #tpu.memory_space<vmem>> -> memref<128xi32, #tpu.memory_space<vmem>>
          %dma_start3A_217 = arith.constant 0 : i32
          %dma_start3A_218 = arith.constant 0 : i32
          %dma_start3A_219 = tpu.memref_slice %arg2[%dma_start3A_217, %dma_start3A_218] : memref<32768x256xf32, #tpu.memory_space<hbm>> -> memref<32768x256xf32, #tpu.memory_space<hbm>>
          tpu.enqueue_indirect_dma source(%dma_start3A_219 : memref<32768x256xf32, #tpu.memory_space<hbm>>) target(%arg8 : memref<128x256xf32, #tpu.memory_space<vmem>>) offsets(%dma_start3A_216 : memref<128xi32, #tpu.memory_space<vmem>>) semaphore(%arg12 : memref<!tpu.dma_semaphore, #tpu.memory_space<semaphore_mem>>)
        } else {
        }
        %mul3A_190 = arith.constant 2 : i32
        %mul3A_191 = arith.muli %mul3A_190, %while3A_136 : i32
        %add3A_192 = arith.addi %arg0, %mul3A_191 : i32
        %mul3A_193 = arith.constant 128 : i32
        %mul3A_194 = arith.muli %add3A_192, %mul3A_193 : i32
        %dma_wait3A_195 = tpu.memref_slice %arg7[%mul3A_194] : memref<6144xi32, #tpu.memory_space<vmem>> -> memref<128xi32, #tpu.memory_space<vmem>>
        %dma_wait3A_196 = arith.constant 0 : i32
        %dma_wait3A_197 = arith.constant 0 : i32
        %dma_wait3A_198 = tpu.memref_slice %arg2[%dma_wait3A_196, %dma_wait3A_197] : memref<32768x256xf32, #tpu.memory_space<hbm>> -> memref<32768x256xf32, #tpu.memory_space<hbm>>
        tpu.wait_indirect_dma semaphore(%arg13 : memref<!tpu.dma_semaphore, #tpu.memory_space<semaphore_mem>>) src(%dma_wait3A_198 : memref<32768x256xf32, #tpu.memory_space<hbm>>) dst(%arg9 : memref<128x256xf32, #tpu.memory_space<vmem>>)
        %mul3A_199 = arith.constant 2 : i32
        %mul3A_200 = arith.muli %mul3A_199, %while3A_136 : i32
        %add3A_201 = arith.addi %arg0, %mul3A_200 : i32
        %mul3A_202 = arith.constant 128 : i32
        %mul3A_203 = arith.muli %add3A_201, %mul3A_202 : i32
        %add3A_204 = arith.addi %mul3A_26, %mul3A_203 : i32
        %dma_start3A_205 = arith.constant 0 : i32
        %dma_start3A_206 = tpu.memref_slice %arg4[%add3A_204, %dma_start3A_205] : memref<98304x256xf32, #tpu.memory_space<hbm>> -> memref<128x256xf32, #tpu.memory_space<hbm>>
        %dma_start3A_207 = arith.constant 0 : i32
        %dma_start3A_208 = tpu.memref_slice %arg4[%add3A_204, %dma_start3A_207] : memref<98304x256xf32, #tpu.memory_space<hbm>> -> memref<128x256xf32, #tpu.memory_space<hbm>>
        tpu.enqueue_dma source(%arg9 : memref<128x256xf32, #tpu.memory_space<vmem>>) target(%dma_start3A_208 : memref<128x256xf32, #tpu.memory_space<hbm>>) target_semaphore(%arg14 : memref<!tpu.dma_semaphore, #tpu.memory_space<semaphore_mem>>)
      } else {
      }
      %while3A_179 = arith.constant 0 : i32
      scf.yield %while3A_179 : i32
    }
    %while3A_95 = arith.constant 1 : i32
    %while3A_96 = scf.for %while3A_136 = %while3A_92 to %while3A_88 step %while3A_95 iter_args(%while3A_137 = %while3A_94) -> (i32)  : i32 {
      %jit3A_138 = arith.constant 2 : i32
      %eq3A_139 = arith.constant 0 : i32
      %eq3A_140 = arith.cmpi eq, %jit3A_138, %eq3A_139 : i32
      %jit3A_141 = arith.constant 1 : i32
      %select_n3A_142 = arith.select %eq3A_140, %jit3A_141, %jit3A_138 : i32
      %rem3A_143 = arith.remsi %while3A_136, %select_n3A_142 : i32
      %ne3A_144 = arith.constant 0 : i32
      %ne3A_145 = arith.cmpi ne, %rem3A_143, %ne3A_144 : i32
      %lt3A = arith.constant 0 : i32
      %lt3A_146 = arith.cmpi slt, %rem3A_143, %lt3A : i32
      %lt3A_147 = arith.constant 0 : i32
      %lt3A_148 = arith.cmpi slt, %select_n3A_142, %lt3A_147 : i32
      %ne3A_149 = arith.xori %lt3A_146, %lt3A_148 : i1
      %and3A_150 = arith.andi %ne3A_149, %ne3A_145 : i1
      %add3A_151 = arith.addi %rem3A_143, %select_n3A_142 : i32
      %select_n3A_152 = arith.select %and3A_150, %add3A_151, %rem3A_143 : i32
      %eq3A_153 = arith.constant 0 : i32
      %eq3A_154 = arith.cmpi eq, %select_n3A_152, %eq3A_153 : i32
      %convert_element_type3A_155 = arith.extui %eq3A_154 : i1 to i32
      %cond3A_156 = arith.constant 0 : i32
      %cond3A_157 = arith.cmpi ne, %convert_element_type3A_155, %cond3A_156 : i32
      scf.if %cond3A_157 {
        %ge3A = arith.constant 1 : i32
        %ge3A_180 = arith.cmpi sge, %while3A_136, %ge3A : i32
        %convert_element_type3A_181 = arith.extui %ge3A_180 : i1 to i32
        %cond3A_182 = arith.constant 0 : i32
        %cond3A_183 = arith.cmpi ne, %convert_element_type3A_181, %cond3A_182 : i32
        scf.if %cond3A_183 {
          %mul3A_209 = arith.constant 2 : i32
          %mul3A_210 = arith.muli %mul3A_209, %while3A_136 : i32
          %add3A_211 = arith.addi %arg0, %mul3A_210 : i32
          %mul3A_212 = arith.constant 128 : i32
          %mul3A_213 = arith.muli %add3A_211, %mul3A_212 : i32
          %add3A_214 = arith.addi %mul3A_26, %mul3A_213 : i32
          %dma_wait3A_215 = arith.constant 0 : i32
          %dma_wait3A_216 = tpu.memref_slice %arg4[%add3A_214, %dma_wait3A_215] : memref<98304x256xf32, #tpu.memory_space<hbm>> -> memref<128x256xf32, #tpu.memory_space<hbm>>
          %dma_wait3A_217 = arith.constant 0 : i32
          %dma_wait3A_218 = tpu.memref_slice %arg4[%add3A_214, %dma_wait3A_217] : memref<98304x256xf32, #tpu.memory_space<hbm>> -> memref<128x256xf32, #tpu.memory_space<hbm>>
          tpu.wait_dma2 semaphore(%arg14 : memref<!tpu.dma_semaphore, #tpu.memory_space<semaphore_mem>>) src(%arg9 : memref<128x256xf32, #tpu.memory_space<vmem>>) dst(%dma_wait3A_218 : memref<128x256xf32, #tpu.memory_space<hbm>>)
        } else {
        }
        %add3A_184 = arith.constant 1 : i32
        %add3A_185 = arith.addi %while3A_136, %add3A_184 : i32
        %lt3A_186 = arith.cmpi slt, %add3A_185, %select_n3A_71 : i32
        %convert_element_type3A_187 = arith.extui %lt3A_186 : i1 to i32
        %cond3A_188 = arith.constant 0 : i32
        %cond3A_189 = arith.cmpi ne, %convert_element_type3A_187, %cond3A_188 : i32
        scf.if %cond3A_189 {
          %add3A_209 = arith.constant 1 : i32
          %add3A_210 = arith.addi %while3A_136, %add3A_209 : i32
          %mul3A_211 = arith.constant 2 : i32
          %mul3A_212 = arith.muli %mul3A_211, %add3A_210 : i32
          %add3A_213 = arith.addi %arg0, %mul3A_212 : i32
          %mul3A_214 = arith.constant 128 : i32
          %mul3A_215 = arith.muli %add3A_213, %mul3A_214 : i32
          %dma_start3A_216 = tpu.memref_slice %arg7[%mul3A_215] : memref<6144xi32, #tpu.memory_space<vmem>> -> memref<128xi32, #tpu.memory_space<vmem>>
          %dma_start3A_217 = arith.constant 0 : i32
          %dma_start3A_218 = arith.constant 0 : i32
          %dma_start3A_219 = tpu.memref_slice %arg2[%dma_start3A_217, %dma_start3A_218] : memref<32768x256xf32, #tpu.memory_space<hbm>> -> memref<32768x256xf32, #tpu.memory_space<hbm>>
          tpu.enqueue_indirect_dma source(%dma_start3A_219 : memref<32768x256xf32, #tpu.memory_space<hbm>>) target(%arg9 : memref<128x256xf32, #tpu.memory_space<vmem>>) offsets(%dma_start3A_216 : memref<128xi32, #tpu.memory_space<vmem>>) semaphore(%arg13 : memref<!tpu.dma_semaphore, #tpu.memory_space<semaphore_mem>>)
        } else {
        }
        %mul3A_190 = arith.constant 2 : i32
        %mul3A_191 = arith.muli %mul3A_190, %while3A_136 : i32
        %add3A_192 = arith.addi %arg0, %mul3A_191 : i32
        %mul3A_193 = arith.constant 128 : i32
        %mul3A_194 = arith.muli %add3A_192, %mul3A_193 : i32
        %dma_wait3A_195 = tpu.memref_slice %arg7[%mul3A_194] : memref<6144xi32, #tpu.memory_space<vmem>> -> memref<128xi32, #tpu.memory_space<vmem>>
        %dma_wait3A_196 = arith.constant 0 : i32
        %dma_wait3A_197 = arith.constant 0 : i32
        %dma_wait3A_198 = tpu.memref_slice %arg2[%dma_wait3A_196, %dma_wait3A_197] : memref<32768x256xf32, #tpu.memory_space<hbm>> -> memref<32768x256xf32, #tpu.memory_space<hbm>>
        tpu.wait_indirect_dma semaphore(%arg12 : memref<!tpu.dma_semaphore, #tpu.memory_space<semaphore_mem>>) src(%dma_wait3A_198 : memref<32768x256xf32, #tpu.memory_space<hbm>>) dst(%arg8 : memref<128x256xf32, #tpu.memory_space<vmem>>)
        %mul3A_199 = arith.constant 2 : i32
        %mul3A_200 = arith.muli %mul3A_199, %while3A_136 : i32
        %add3A_201 = arith.addi %arg0, %mul3A_200 : i32
        %mul3A_202 = arith.constant 128 : i32
        %mul3A_203 = arith.muli %add3A_201, %mul3A_202 : i32
        %add3A_204 = arith.addi %mul3A_26, %mul3A_203 : i32
        %dma_start3A_205 = arith.constant 0 : i32
        %dma_start3A_206 = tpu.memref_slice %arg4[%add3A_204, %dma_start3A_205] : memref<98304x256xf32, #tpu.memory_space<hbm>> -> memref<128x256xf32, #tpu.memory_space<hbm>>
        %dma_start3A_207 = arith.constant 0 : i32
        %dma_start3A_208 = tpu.memref_slice %arg4[%add3A_204, %dma_start3A_207] : memref<98304x256xf32, #tpu.memory_space<hbm>> -> memref<128x256xf32, #tpu.memory_space<hbm>>
        tpu.enqueue_dma source(%arg8 : memref<128x256xf32, #tpu.memory_space<vmem>>) target(%dma_start3A_208 : memref<128x256xf32, #tpu.memory_space<hbm>>) target_semaphore(%arg14 : memref<!tpu.dma_semaphore, #tpu.memory_space<semaphore_mem>>)
      } else {
      }
      %jit3A_158 = arith.constant 2 : i32
      %eq3A_159 = arith.constant 0 : i32
      %eq3A_160 = arith.cmpi eq, %jit3A_158, %eq3A_159 : i32
      %jit3A_161 = arith.constant 1 : i32
      %select_n3A_162 = arith.select %eq3A_160, %jit3A_161, %jit3A_158 : i32
      %rem3A_163 = arith.remsi %while3A_136, %select_n3A_162 : i32
      %ne3A_164 = arith.constant 0 : i32
      %ne3A_165 = arith.cmpi ne, %rem3A_163, %ne3A_164 : i32
      %lt3A_166 = arith.constant 0 : i32
      %lt3A_167 = arith.cmpi slt, %rem3A_163, %lt3A_166 : i32
      %lt3A_168 = arith.constant 0 : i32
      %lt3A_169 = arith.cmpi slt, %select_n3A_162, %lt3A_168 : i32
      %ne3A_170 = arith.xori %lt3A_167, %lt3A_169 : i1
      %and3A_171 = arith.andi %ne3A_170, %ne3A_165 : i1
      %add3A_172 = arith.addi %rem3A_163, %select_n3A_162 : i32
      %select_n3A_173 = arith.select %and3A_171, %add3A_172, %rem3A_163 : i32
      %eq3A_174 = arith.constant 1 : i32
      %eq3A_175 = arith.cmpi eq, %select_n3A_173, %eq3A_174 : i32
      %convert_element_type3A_176 = arith.extui %eq3A_175 : i1 to i32
      %cond3A_177 = arith.constant 0 : i32
      %cond3A_178 = arith.cmpi ne, %convert_element_type3A_176, %cond3A_177 : i32
      scf.if %cond3A_178 {
        %ge3A = arith.constant 1 : i32
        %ge3A_180 = arith.cmpi sge, %while3A_136, %ge3A : i32
        %convert_element_type3A_181 = arith.extui %ge3A_180 : i1 to i32
        %cond3A_182 = arith.constant 0 : i32
        %cond3A_183 = arith.cmpi ne, %convert_element_type3A_181, %cond3A_182 : i32
        scf.if %cond3A_183 {
          %mul3A_209 = arith.constant 2 : i32
          %mul3A_210 = arith.muli %mul3A_209, %while3A_136 : i32
          %add3A_211 = arith.addi %arg0, %mul3A_210 : i32
          %mul3A_212 = arith.constant 128 : i32
          %mul3A_213 = arith.muli %add3A_211, %mul3A_212 : i32
          %add3A_214 = arith.addi %mul3A_26, %mul3A_213 : i32
          %dma_wait3A_215 = arith.constant 0 : i32
          %dma_wait3A_216 = tpu.memref_slice %arg4[%add3A_214, %dma_wait3A_215] : memref<98304x256xf32, #tpu.memory_space<hbm>> -> memref<128x256xf32, #tpu.memory_space<hbm>>
          %dma_wait3A_217 = arith.constant 0 : i32
          %dma_wait3A_218 = tpu.memref_slice %arg4[%add3A_214, %dma_wait3A_217] : memref<98304x256xf32, #tpu.memory_space<hbm>> -> memref<128x256xf32, #tpu.memory_space<hbm>>
          tpu.wait_dma2 semaphore(%arg14 : memref<!tpu.dma_semaphore, #tpu.memory_space<semaphore_mem>>) src(%arg8 : memref<128x256xf32, #tpu.memory_space<vmem>>) dst(%dma_wait3A_218 : memref<128x256xf32, #tpu.memory_space<hbm>>)
        } else {
        }
        %add3A_184 = arith.constant 1 : i32
        %add3A_185 = arith.addi %while3A_136, %add3A_184 : i32
        %lt3A_186 = arith.cmpi slt, %add3A_185, %select_n3A_71 : i32
        %convert_element_type3A_187 = arith.extui %lt3A_186 : i1 to i32
        %cond3A_188 = arith.constant 0 : i32
        %cond3A_189 = arith.cmpi ne, %convert_element_type3A_187, %cond3A_188 : i32
        scf.if %cond3A_189 {
          %add3A_209 = arith.constant 1 : i32
          %add3A_210 = arith.addi %while3A_136, %add3A_209 : i32
          %mul3A_211 = arith.constant 2 : i32
          %mul3A_212 = arith.muli %mul3A_211, %add3A_210 : i32
          %add3A_213 = arith.addi %arg0, %mul3A_212 : i32
          %mul3A_214 = arith.constant 128 : i32
          %mul3A_215 = arith.muli %add3A_213, %mul3A_214 : i32
          %dma_start3A_216 = tpu.memref_slice %arg7[%mul3A_215] : memref<6144xi32, #tpu.memory_space<vmem>> -> memref<128xi32, #tpu.memory_space<vmem>>
          %dma_start3A_217 = arith.constant 0 : i32
          %dma_start3A_218 = arith.constant 0 : i32
          %dma_start3A_219 = tpu.memref_slice %arg2[%dma_start3A_217, %dma_start3A_218] : memref<32768x256xf32, #tpu.memory_space<hbm>> -> memref<32768x256xf32, #tpu.memory_space<hbm>>
          tpu.enqueue_indirect_dma source(%dma_start3A_219 : memref<32768x256xf32, #tpu.memory_space<hbm>>) target(%arg8 : memref<128x256xf32, #tpu.memory_space<vmem>>) offsets(%dma_start3A_216 : memref<128xi32, #tpu.memory_space<vmem>>) semaphore(%arg12 : memref<!tpu.dma_semaphore, #tpu.memory_space<semaphore_mem>>)
        } else {
        }
        %mul3A_190 = arith.constant 2 : i32
        %mul3A_191 = arith.muli %mul3A_190, %while3A_136 : i32
        %add3A_192 = arith.addi %arg0, %mul3A_191 : i32
        %mul3A_193 = arith.constant 128 : i32
        %mul3A_194 = arith.muli %add3A_192, %mul3A_193 : i32
        %dma_wait3A_195 = tpu.memref_slice %arg7[%mul3A_194] : memref<6144xi32, #tpu.memory_space<vmem>> -> memref<128xi32, #tpu.memory_space<vmem>>
        %dma_wait3A_196 = arith.constant 0 : i32
        %dma_wait3A_197 = arith.constant 0 : i32
        %dma_wait3A_198 = tpu.memref_slice %arg2[%dma_wait3A_196, %dma_wait3A_197] : memref<32768x256xf32, #tpu.memory_space<hbm>> -> memref<32768x256xf32, #tpu.memory_space<hbm>>
        tpu.wait_indirect_dma semaphore(%arg13 : memref<!tpu.dma_semaphore, #tpu.memory_space<semaphore_mem>>) src(%dma_wait3A_198 : memref<32768x256xf32, #tpu.memory_space<hbm>>) dst(%arg9 : memref<128x256xf32, #tpu.memory_space<vmem>>)
        %mul3A_199 = arith.constant 2 : i32
        %mul3A_200 = arith.muli %mul3A_199, %while3A_136 : i32
        %add3A_201 = arith.addi %arg0, %mul3A_200 : i32
        %mul3A_202 = arith.constant 128 : i32
        %mul3A_203 = arith.muli %add3A_201, %mul3A_202 : i32
        %add3A_204 = arith.addi %mul3A_26, %mul3A_203 : i32
        %dma_start3A_205 = arith.constant 0 : i32
        %dma_start3A_206 = tpu.memref_slice %arg4[%add3A_204, %dma_start3A_205] : memref<98304x256xf32, #tpu.memory_space<hbm>> -> memref<128x256xf32, #tpu.memory_space<hbm>>
        %dma_start3A_207 = arith.constant 0 : i32
        %dma_start3A_208 = tpu.memref_slice %arg4[%add3A_204, %dma_start3A_207] : memref<98304x256xf32, #tpu.memory_space<hbm>> -> memref<128x256xf32, #tpu.memory_space<hbm>>
        tpu.enqueue_dma source(%arg9 : memref<128x256xf32, #tpu.memory_space<vmem>>) target(%dma_start3A_208 : memref<128x256xf32, #tpu.memory_space<hbm>>) target_semaphore(%arg14 : memref<!tpu.dma_semaphore, #tpu.memory_space<semaphore_mem>>)
      } else {
      }
      %while3A_179 = arith.constant 0 : i32
      scf.yield %while3A_179 : i32
    }
    %eq3A_97 = arith.constant 0 : i32
    %eq3A_98 = arith.cmpi eq, %arg0, %eq3A_97 : i32
    %convert_element_type3A_99 = arith.extui %eq3A_98 : i1 to i32
    %cond3A_100 = arith.constant 0 : i32
    %cond3A_101 = arith.cmpi ne, %convert_element_type3A_99, %cond3A_100 : i32
    scf.if %cond3A_101 {
      %broadcast_in_dim3A_136 = vector.broadcast %scan3A_23 : i32 to vector<16xi32>
      %swap3A = arith.constant 0 : index
      %swap3A_137 = tpu.vector_load %arg11[%swap3A] {strides = array<i32>} : memref<16xi32, #tpu.memory_space<vmem>>, vector<16xi32>,
      tpu.vector_store %arg11[%swap3A], %broadcast_in_dim3A_136 {strides = array<i32>} : memref<16xi32, #tpu.memory_space<vmem>>, vector<16xi32>,
      "tpu.region"() ({
        %run_scoped3A = tpu.sem_alloc : memref<!tpu.dma_semaphore, #tpu.memory_space<semaphore_mem>>
        %dma_start3A_138 = arith.constant 0 : i32
        %dma_start3A_139 = tpu.memref_slice %arg5[%arg1, %dma_start3A_138] : memref<16x16xi32, #tpu.memory_space<hbm>> -> memref<1x16xi32, #tpu.memory_space<hbm>>
        %dma_start3A_140 = tpu.memref_squeeze %dma_start3A_139 : memref<1x16xi32, #tpu.memory_space<hbm>> -> memref<16xi32, #tpu.memory_space<hbm>>
        %dma_start3A_141 = arith.constant 0 : i32
        %dma_start3A_142 = tpu.memref_slice %arg5[%arg1, %dma_start3A_141] : memref<16x16xi32, #tpu.memory_space<hbm>> -> memref<1x16xi32, #tpu.memory_space<hbm>>
        %dma_start3A_143 = tpu.memref_squeeze %dma_start3A_142 : memref<1x16xi32, #tpu.memory_space<hbm>> -> memref<16xi32, #tpu.memory_space<hbm>>
        tpu.enqueue_dma source(%arg11 : memref<16xi32, #tpu.memory_space<vmem>>) target(%dma_start3A_143 : memref<16xi32, #tpu.memory_space<hbm>>) target_semaphore(%run_scoped3A : memref<!tpu.dma_semaphore, #tpu.memory_space<semaphore_mem>>)
        %dma_wait3A_144 = arith.constant 0 : i32
        %dma_wait3A_145 = tpu.memref_slice %arg5[%arg1, %dma_wait3A_144] : memref<16x16xi32, #tpu.memory_space<hbm>> -> memref<1x16xi32, #tpu.memory_space<hbm>>
        %dma_wait3A_146 = tpu.memref_squeeze %dma_wait3A_145 : memref<1x16xi32, #tpu.memory_space<hbm>> -> memref<16xi32, #tpu.memory_space<hbm>>
        %dma_wait3A_147 = arith.constant 0 : i32
        %dma_wait3A_148 = tpu.memref_slice %arg5[%arg1, %dma_wait3A_147] : memref<16x16xi32, #tpu.memory_space<hbm>> -> memref<1x16xi32, #tpu.memory_space<hbm>>
        %dma_wait3A_149 = tpu.memref_squeeze %dma_wait3A_148 : memref<1x16xi32, #tpu.memory_space<hbm>> -> memref<16xi32, #tpu.memory_space<hbm>>
        tpu.wait_dma2 semaphore(%run_scoped3A : memref<!tpu.dma_semaphore, #tpu.memory_space<semaphore_mem>>) src(%arg11 : memref<16xi32, #tpu.memory_space<vmem>>) dst(%dma_wait3A_149 : memref<16xi32, #tpu.memory_space<hbm>>)
        tpu.yield
      }) : () -> ()
    } else {
    }
    %gt3A_102 = arith.constant 0 : i32
    %gt3A_103 = arith.cmpi sgt, %select_n3A_71, %gt3A_102 : i32
    %convert_element_type3A_104 = arith.extui %gt3A_103 : i1 to i32
    %cond3A_105 = arith.constant 0 : i32
    %cond3A_106 = arith.cmpi ne, %convert_element_type3A_104, %cond3A_105 : i32
    scf.if %cond3A_106 {
      %add3A_136 = arith.constant 0 : i32
      %add3A_137 = arith.addi %arg0, %add3A_136 : i32
      %mul3A_138 = arith.constant 128 : i32
      %mul3A_139 = arith.muli %add3A_137, %mul3A_138 : i32
      %add3A_140 = arith.addi %mul3A_26, %mul3A_139 : i32
      %dma_wait3A_141 = arith.constant 0 : i32
      %dma_wait3A_142 = tpu.memref_slice %arg4[%add3A_140, %dma_wait3A_141] : memref<98304x256xf32, #tpu.memory_space<hbm>> -> memref<128x256xf32, #tpu.memory_space<hbm>>
      %dma_wait3A_143 = arith.constant 0 : i32
      %dma_wait3A_144 = tpu.memref_slice %arg4[%add3A_140, %dma_wait3A_143] : memref<98304x256xf32, #tpu.memory_space<hbm>> -> memref<128x256xf32, #tpu.memory_space<hbm>>
      tpu.wait_dma2 semaphore(%arg14 : memref<!tpu.dma_semaphore, #tpu.memory_space<semaphore_mem>>) src(%arg8 : memref<128x256xf32, #tpu.memory_space<vmem>>) dst(%dma_wait3A_144 : memref<128x256xf32, #tpu.memory_space<hbm>>)
    } else {
    }
    %convert_element_type3A_107 = arith.extui %and3A_75 : i1 to i32
    %cond3A_108 = arith.constant 0 : i32
    %cond3A_109 = arith.cmpi ne, %convert_element_type3A_107, %cond3A_108 : i32
    scf.if %cond3A_109 {
      %mul3A_136 = arith.constant 2 : i32
      %mul3A_137 = arith.muli %mul3A_136, %select_n3A_71 : i32
      %add3A_138 = arith.addi %arg0, %mul3A_137 : i32
      %mul3A_139 = arith.constant 128 : i32
      %mul3A_140 = arith.muli %add3A_138, %mul3A_139 : i32
      %dma_start3A_141 = tpu.memref_slice %arg7[%mul3A_140] : memref<6144xi32, #tpu.memory_space<vmem>> -> memref<128xi32, #tpu.memory_space<vmem>>
      %dma_start3A_142 = arith.constant 0 : i32
      %dma_start3A_143 = arith.constant 0 : i32
      %dma_start3A_144 = tpu.memref_slice %arg2[%dma_start3A_142, %dma_start3A_143] : memref<32768x256xf32, #tpu.memory_space<hbm>> -> memref<32768x256xf32, #tpu.memory_space<hbm>>
      tpu.enqueue_indirect_dma source(%dma_start3A_144 : memref<32768x256xf32, #tpu.memory_space<hbm>>) target(%arg8 : memref<128x256xf32, #tpu.memory_space<vmem>>) offsets(%dma_start3A_141 : memref<128xi32, #tpu.memory_space<vmem>>) semaphore(%arg12 : memref<!tpu.dma_semaphore, #tpu.memory_space<semaphore_mem>>)
      %mul3A_145 = arith.constant 2 : i32
      %mul3A_146 = arith.muli %mul3A_145, %select_n3A_71 : i32
      %add3A_147 = arith.addi %arg0, %mul3A_146 : i32
      %mul3A_148 = arith.constant 128 : i32
      %mul3A_149 = arith.muli %add3A_147, %mul3A_148 : i32
      %dma_wait3A_150 = tpu.memref_slice %arg7[%mul3A_149] : memref<6144xi32, #tpu.memory_space<vmem>> -> memref<128xi32, #tpu.memory_space<vmem>>
      %dma_wait3A_151 = arith.constant 0 : i32
      %dma_wait3A_152 = arith.constant 0 : i32
      %dma_wait3A_153 = tpu.memref_slice %arg2[%dma_wait3A_151, %dma_wait3A_152] : memref<32768x256xf32, #tpu.memory_space<hbm>> -> memref<32768x256xf32, #tpu.memory_space<hbm>>
      tpu.wait_indirect_dma semaphore(%arg12 : memref<!tpu.dma_semaphore, #tpu.memory_space<semaphore_mem>>) src(%dma_wait3A_153 : memref<32768x256xf32, #tpu.memory_space<hbm>>) dst(%arg8 : memref<128x256xf32, #tpu.memory_space<vmem>>)
      %while3A_154 = arith.constant 128 : i32
      %while3A_155 = arith.constant 0 : i32
      %while3A_156 = arith.subi %while3A_154, %sub3A_45 : i32
      %while3A_157 = arith.addi %sub3A_45, %while3A_156 : i32
      %while3A_158 = arith.constant 1 : i32
      %while3A_159 = arith.divsi %while3A_156, %while3A_158 : i32
      %while3A_160 = arith.muli %while3A_159, %while3A_158 : i32
      %while3A_161 = arith.addi %sub3A_45, %while3A_160 : i32
      %while3A_162 = arith.constant 1 : i32
      %while3A_163 = scf.for %while3A_186 = %sub3A_45 to %while3A_161 step %while3A_162 iter_args(%while3A_187 = %while3A_155) -> (i32)  : i32 {
        %swap3A = arith.index_cast %while3A_186 : i32 to index
        %swap3A_188 = arith.constant 0 : index
        %swap3A_189 = tpu.vector_load %arg8[%swap3A, %swap3A_188] {strides = array<i32>} : memref<128x256xf32, #tpu.memory_space<vmem>>, vector<16xf32>,
        tpu.vector_store %arg8[%swap3A, %swap3A_188], %broadcast_in_dim3A_6 {strides = array<i32>} : memref<128x256xf32, #tpu.memory_space<vmem>>, vector<16xf32>,
        %swap3A_190 = arith.index_cast %while3A_186 : i32 to index
        %swap3A_191 = arith.constant 16 : index
        %swap3A_192 = tpu.vector_load %arg8[%swap3A_190, %swap3A_191] {strides = array<i32>} : memref<128x256xf32, #tpu.memory_space<vmem>>, vector<16xf32>,
        tpu.vector_store %arg8[%swap3A_190, %swap3A_191], %broadcast_in_dim3A_6 {strides = array<i32>} : memref<128x256xf32, #tpu.memory_space<vmem>>, vector<16xf32>,
        %swap3A_193 = arith.index_cast %while3A_186 : i32 to index
        %swap3A_194 = arith.constant 32 : index
        %swap3A_195 = tpu.vector_load %arg8[%swap3A_193, %swap3A_194] {strides = array<i32>} : memref<128x256xf32, #tpu.memory_space<vmem>>, vector<16xf32>,
        tpu.vector_store %arg8[%swap3A_193, %swap3A_194], %broadcast_in_dim3A_6 {strides = array<i32>} : memref<128x256xf32, #tpu.memory_space<vmem>>, vector<16xf32>,
        %swap3A_196 = arith.index_cast %while3A_186 : i32 to index
        %swap3A_197 = arith.constant 48 : index
        %swap3A_198 = tpu.vector_load %arg8[%swap3A_196, %swap3A_197] {strides = array<i32>} : memref<128x256xf32, #tpu.memory_space<vmem>>, vector<16xf32>,
        tpu.vector_store %arg8[%swap3A_196, %swap3A_197], %broadcast_in_dim3A_6 {strides = array<i32>} : memref<128x256xf32, #tpu.memory_space<vmem>>, vector<16xf32>,
        %swap3A_199 = arith.index_cast %while3A_186 : i32 to index
        %swap3A_200 = arith.constant 64 : index
        %swap3A_201 = tpu.vector_load %arg8[%swap3A_199, %swap3A_200] {strides = array<i32>} : memref<128x256xf32, #tpu.memory_space<vmem>>, vector<16xf32>,
        tpu.vector_store %arg8[%swap3A_199, %swap3A_200], %broadcast_in_dim3A_6 {strides = array<i32>} : memref<128x256xf32, #tpu.memory_space<vmem>>, vector<16xf32>,
        %swap3A_202 = arith.index_cast %while3A_186 : i32 to index
        %swap3A_203 = arith.constant 80 : index
        %swap3A_204 = tpu.vector_load %arg8[%swap3A_202, %swap3A_203] {strides = array<i32>} : memref<128x256xf32, #tpu.memory_space<vmem>>, vector<16xf32>,
        tpu.vector_store %arg8[%swap3A_202, %swap3A_203], %broadcast_in_dim3A_6 {strides = array<i32>} : memref<128x256xf32, #tpu.memory_space<vmem>>, vector<16xf32>,
        %swap3A_205 = arith.index_cast %while3A_186 : i32 to index
        %swap3A_206 = arith.constant 96 : index
        %swap3A_207 = tpu.vector_load %arg8[%swap3A_205, %swap3A_206] {strides = array<i32>} : memref<128x256xf32, #tpu.memory_space<vmem>>, vector<16xf32>,
        tpu.vector_store %arg8[%swap3A_205, %swap3A_206], %broadcast_in_dim3A_6 {strides = array<i32>} : memref<128x256xf32, #tpu.memory_space<vmem>>, vector<16xf32>,
        %swap3A_208 = arith.index_cast %while3A_186 : i32 to index
        %swap3A_209 = arith.constant 112 : index
        %swap3A_210 = tpu.vector_load %arg8[%swap3A_208, %swap3A_209] {strides = array<i32>} : memref<128x256xf32, #tpu.memory_space<vmem>>, vector<16xf32>,
        tpu.vector_store %arg8[%swap3A_208, %swap3A_209], %broadcast_in_dim3A_6 {strides = array<i32>} : memref<128x256xf32, #tpu.memory_space<vmem>>, vector<16xf32>,
        %swap3A_211 = arith.index_cast %while3A_186 : i32 to index
        %swap3A_212 = arith.constant 128 : index
        %swap3A_213 = tpu.vector_load %arg8[%swap3A_211, %swap3A_212] {strides = array<i32>} : memref<128x256xf32, #tpu.memory_space<vmem>>, vector<16xf32>,
        tpu.vector_store %arg8[%swap3A_211, %swap3A_212], %broadcast_in_dim3A_6 {strides = array<i32>} : memref<128x256xf32, #tpu.memory_space<vmem>>, vector<16xf32>,
        %swap3A_214 = arith.index_cast %while3A_186 : i32 to index
        %swap3A_215 = arith.constant 144 : index
        %swap3A_216 = tpu.vector_load %arg8[%swap3A_214, %swap3A_215] {strides = array<i32>} : memref<128x256xf32, #tpu.memory_space<vmem>>, vector<16xf32>,
        tpu.vector_store %arg8[%swap3A_214, %swap3A_215], %broadcast_in_dim3A_6 {strides = array<i32>} : memref<128x256xf32, #tpu.memory_space<vmem>>, vector<16xf32>,
        %swap3A_217 = arith.index_cast %while3A_186 : i32 to index
        %swap3A_218 = arith.constant 160 : index
        %swap3A_219 = tpu.vector_load %arg8[%swap3A_217, %swap3A_218] {strides = array<i32>} : memref<128x256xf32, #tpu.memory_space<vmem>>, vector<16xf32>,
        tpu.vector_store %arg8[%swap3A_217, %swap3A_218], %broadcast_in_dim3A_6 {strides = array<i32>} : memref<128x256xf32, #tpu.memory_space<vmem>>, vector<16xf32>,
        %swap3A_220 = arith.index_cast %while3A_186 : i32 to index
        %swap3A_221 = arith.constant 176 : index
        %swap3A_222 = tpu.vector_load %arg8[%swap3A_220, %swap3A_221] {strides = array<i32>} : memref<128x256xf32, #tpu.memory_space<vmem>>, vector<16xf32>,
        tpu.vector_store %arg8[%swap3A_220, %swap3A_221], %broadcast_in_dim3A_6 {strides = array<i32>} : memref<128x256xf32, #tpu.memory_space<vmem>>, vector<16xf32>,
        %swap3A_223 = arith.index_cast %while3A_186 : i32 to index
        %swap3A_224 = arith.constant 192 : index
        %swap3A_225 = tpu.vector_load %arg8[%swap3A_223, %swap3A_224] {strides = array<i32>} : memref<128x256xf32, #tpu.memory_space<vmem>>, vector<16xf32>,
        tpu.vector_store %arg8[%swap3A_223, %swap3A_224], %broadcast_in_dim3A_6 {strides = array<i32>} : memref<128x256xf32, #tpu.memory_space<vmem>>, vector<16xf32>,
        %swap3A_226 = arith.index_cast %while3A_186 : i32 to index
        %swap3A_227 = arith.constant 208 : index
        %swap3A_228 = tpu.vector_load %arg8[%swap3A_226, %swap3A_227] {strides = array<i32>} : memref<128x256xf32, #tpu.memory_space<vmem>>, vector<16xf32>,
        tpu.vector_store %arg8[%swap3A_226, %swap3A_227], %broadcast_in_dim3A_6 {strides = array<i32>} : memref<128x256xf32, #tpu.memory_space<vmem>>, vector<16xf32>,
        %swap3A_229 = arith.index_cast %while3A_186 : i32 to index
        %swap3A_230 = arith.constant 224 : index
        %swap3A_231 = tpu.vector_load %arg8[%swap3A_229, %swap3A_230] {strides = array<i32>} : memref<128x256xf32, #tpu.memory_space<vmem>>, vector<16xf32>,
        tpu.vector_store %arg8[%swap3A_229, %swap3A_230], %broadcast_in_dim3A_6 {strides = array<i32>} : memref<128x256xf32, #tpu.memory_space<vmem>>, vector<16xf32>,
        %swap3A_232 = arith.index_cast %while3A_186 : i32 to index
        %swap3A_233 = arith.constant 240 : index
        %swap3A_234 = tpu.vector_load %arg8[%swap3A_232, %swap3A_233] {strides = array<i32>} : memref<128x256xf32, #tpu.memory_space<vmem>>, vector<16xf32>,
        tpu.vector_store %arg8[%swap3A_232, %swap3A_233], %broadcast_in_dim3A_6 {strides = array<i32>} : memref<128x256xf32, #tpu.memory_space<vmem>>, vector<16xf32>,
        %while3A_235 = arith.constant 0 : i32
        scf.yield %while3A_235 : i32
      }
      %while3A_164 = arith.constant 1 : i32
      %while3A_165 = scf.for %while3A_186 = %while3A_161 to %while3A_157 step %while3A_164 iter_args(%while3A_187 = %while3A_163) -> (i32)  : i32 {
        %swap3A = arith.index_cast %while3A_186 : i32 to index
        %swap3A_188 = arith.constant 0 : index
        %swap3A_189 = tpu.vector_load %arg8[%swap3A, %swap3A_188] {strides = array<i32>} : memref<128x256xf32, #tpu.memory_space<vmem>>, vector<16xf32>,
        tpu.vector_store %arg8[%swap3A, %swap3A_188], %broadcast_in_dim3A_6 {strides = array<i32>} : memref<128x256xf32, #tpu.memory_space<vmem>>, vector<16xf32>,
        %swap3A_190 = arith.index_cast %while3A_186 : i32 to index
        %swap3A_191 = arith.constant 16 : index
        %swap3A_192 = tpu.vector_load %arg8[%swap3A_190, %swap3A_191] {strides = array<i32>} : memref<128x256xf32, #tpu.memory_space<vmem>>, vector<16xf32>,
        tpu.vector_store %arg8[%swap3A_190, %swap3A_191], %broadcast_in_dim3A_6 {strides = array<i32>} : memref<128x256xf32, #tpu.memory_space<vmem>>, vector<16xf32>,
        %swap3A_193 = arith.index_cast %while3A_186 : i32 to index
        %swap3A_194 = arith.constant 32 : index
        %swap3A_195 = tpu.vector_load %arg8[%swap3A_193, %swap3A_194] {strides = array<i32>} : memref<128x256xf32, #tpu.memory_space<vmem>>, vector<16xf32>,
        tpu.vector_store %arg8[%swap3A_193, %swap3A_194], %broadcast_in_dim3A_6 {strides = array<i32>} : memref<128x256xf32, #tpu.memory_space<vmem>>, vector<16xf32>,
        %swap3A_196 = arith.index_cast %while3A_186 : i32 to index
        %swap3A_197 = arith.constant 48 : index
        %swap3A_198 = tpu.vector_load %arg8[%swap3A_196, %swap3A_197] {strides = array<i32>} : memref<128x256xf32, #tpu.memory_space<vmem>>, vector<16xf32>,
        tpu.vector_store %arg8[%swap3A_196, %swap3A_197], %broadcast_in_dim3A_6 {strides = array<i32>} : memref<128x256xf32, #tpu.memory_space<vmem>>, vector<16xf32>,
        %swap3A_199 = arith.index_cast %while3A_186 : i32 to index
        %swap3A_200 = arith.constant 64 : index
        %swap3A_201 = tpu.vector_load %arg8[%swap3A_199, %swap3A_200] {strides = array<i32>} : memref<128x256xf32, #tpu.memory_space<vmem>>, vector<16xf32>,
        tpu.vector_store %arg8[%swap3A_199, %swap3A_200], %broadcast_in_dim3A_6 {strides = array<i32>} : memref<128x256xf32, #tpu.memory_space<vmem>>, vector<16xf32>,
        %swap3A_202 = arith.index_cast %while3A_186 : i32 to index
        %swap3A_203 = arith.constant 80 : index
        %swap3A_204 = tpu.vector_load %arg8[%swap3A_202, %swap3A_203] {strides = array<i32>} : memref<128x256xf32, #tpu.memory_space<vmem>>, vector<16xf32>,
        tpu.vector_store %arg8[%swap3A_202, %swap3A_203], %broadcast_in_dim3A_6 {strides = array<i32>} : memref<128x256xf32, #tpu.memory_space<vmem>>, vector<16xf32>,
        %swap3A_205 = arith.index_cast %while3A_186 : i32 to index
        %swap3A_206 = arith.constant 96 : index
        %swap3A_207 = tpu.vector_load %arg8[%swap3A_205, %swap3A_206] {strides = array<i32>} : memref<128x256xf32, #tpu.memory_space<vmem>>, vector<16xf32>,
        tpu.vector_store %arg8[%swap3A_205, %swap3A_206], %broadcast_in_dim3A_6 {strides = array<i32>} : memref<128x256xf32, #tpu.memory_space<vmem>>, vector<16xf32>,
        %swap3A_208 = arith.index_cast %while3A_186 : i32 to index
        %swap3A_209 = arith.constant 112 : index
        %swap3A_210 = tpu.vector_load %arg8[%swap3A_208, %swap3A_209] {strides = array<i32>} : memref<128x256xf32, #tpu.memory_space<vmem>>, vector<16xf32>,
        tpu.vector_store %arg8[%swap3A_208, %swap3A_209], %broadcast_in_dim3A_6 {strides = array<i32>} : memref<128x256xf32, #tpu.memory_space<vmem>>, vector<16xf32>,
        %swap3A_211 = arith.index_cast %while3A_186 : i32 to index
        %swap3A_212 = arith.constant 128 : index
        %swap3A_213 = tpu.vector_load %arg8[%swap3A_211, %swap3A_212] {strides = array<i32>} : memref<128x256xf32, #tpu.memory_space<vmem>>, vector<16xf32>,
        tpu.vector_store %arg8[%swap3A_211, %swap3A_212], %broadcast_in_dim3A_6 {strides = array<i32>} : memref<128x256xf32, #tpu.memory_space<vmem>>, vector<16xf32>,
        %swap3A_214 = arith.index_cast %while3A_186 : i32 to index
        %swap3A_215 = arith.constant 144 : index
        %swap3A_216 = tpu.vector_load %arg8[%swap3A_214, %swap3A_215] {strides = array<i32>} : memref<128x256xf32, #tpu.memory_space<vmem>>, vector<16xf32>,
        tpu.vector_store %arg8[%swap3A_214, %swap3A_215], %broadcast_in_dim3A_6 {strides = array<i32>} : memref<128x256xf32, #tpu.memory_space<vmem>>, vector<16xf32>,
        %swap3A_217 = arith.index_cast %while3A_186 : i32 to index
        %swap3A_218 = arith.constant 160 : index
        %swap3A_219 = tpu.vector_load %arg8[%swap3A_217, %swap3A_218] {strides = array<i32>} : memref<128x256xf32, #tpu.memory_space<vmem>>, vector<16xf32>,
        tpu.vector_store %arg8[%swap3A_217, %swap3A_218], %broadcast_in_dim3A_6 {strides = array<i32>} : memref<128x256xf32, #tpu.memory_space<vmem>>, vector<16xf32>,
        %swap3A_220 = arith.index_cast %while3A_186 : i32 to index
        %swap3A_221 = arith.constant 176 : index
        %swap3A_222 = tpu.vector_load %arg8[%swap3A_220, %swap3A_221] {strides = array<i32>} : memref<128x256xf32, #tpu.memory_space<vmem>>, vector<16xf32>,
        tpu.vector_store %arg8[%swap3A_220, %swap3A_221], %broadcast_in_dim3A_6 {strides = array<i32>} : memref<128x256xf32, #tpu.memory_space<vmem>>, vector<16xf32>,
        %swap3A_223 = arith.index_cast %while3A_186 : i32 to index
        %swap3A_224 = arith.constant 192 : index
        %swap3A_225 = tpu.vector_load %arg8[%swap3A_223, %swap3A_224] {strides = array<i32>} : memref<128x256xf32, #tpu.memory_space<vmem>>, vector<16xf32>,
        tpu.vector_store %arg8[%swap3A_223, %swap3A_224], %broadcast_in_dim3A_6 {strides = array<i32>} : memref<128x256xf32, #tpu.memory_space<vmem>>, vector<16xf32>,
        %swap3A_226 = arith.index_cast %while3A_186 : i32 to index
        %swap3A_227 = arith.constant 208 : index
        %swap3A_228 = tpu.vector_load %arg8[%swap3A_226, %swap3A_227] {strides = array<i32>} : memref<128x256xf32, #tpu.memory_space<vmem>>, vector<16xf32>,
        tpu.vector_store %arg8[%swap3A_226, %swap3A_227], %broadcast_in_dim3A_6 {strides = array<i32>} : memref<128x256xf32, #tpu.memory_space<vmem>>, vector<16xf32>,
        %swap3A_229 = arith.index_cast %while3A_186 : i32 to index
        %swap3A_230 = arith.constant 224 : index
        %swap3A_231 = tpu.vector_load %arg8[%swap3A_229, %swap3A_230] {strides = array<i32>} : memref<128x256xf32, #tpu.memory_space<vmem>>, vector<16xf32>,
        tpu.vector_store %arg8[%swap3A_229, %swap3A_230], %broadcast_in_dim3A_6 {strides = array<i32>} : memref<128x256xf32, #tpu.memory_space<vmem>>, vector<16xf32>,
        %swap3A_232 = arith.index_cast %while3A_186 : i32 to index
        %swap3A_233 = arith.constant 240 : index
        %swap3A_234 = tpu.vector_load %arg8[%swap3A_232, %swap3A_233] {strides = array<i32>} : memref<128x256xf32, #tpu.memory_space<vmem>>, vector<16xf32>,
        tpu.vector_store %arg8[%swap3A_232, %swap3A_233], %broadcast_in_dim3A_6 {strides = array<i32>} : memref<128x256xf32, #tpu.memory_space<vmem>>, vector<16xf32>,
        %while3A_235 = arith.constant 0 : i32
        scf.yield %while3A_235 : i32
      }
      %mul3A_166 = arith.constant 2 : i32
      %mul3A_167 = arith.muli %mul3A_166, %select_n3A_71 : i32
      %add3A_168 = arith.addi %arg0, %mul3A_167 : i32
      %mul3A_169 = arith.constant 128 : i32
      %mul3A_170 = arith.muli %add3A_168, %mul3A_169 : i32
      %add3A_171 = arith.addi %mul3A_26, %mul3A_170 : i32
      %dma_start3A_172 = arith.constant 0 : i32
      %dma_start3A_173 = tpu.memref_slice %arg4[%add3A_171, %dma_start3A_172] : memref<98304x256xf32, #tpu.memory_space<hbm>> -> memref<128x256xf32, #tpu.memory_space<hbm>>
      %dma_start3A_174 = arith.constant 0 : i32
      %dma_start3A_175 = tpu.memref_slice %arg4[%add3A_171, %dma_start3A_174] : memref<98304x256xf32, #tpu.memory_space<hbm>> -> memref<128x256xf32, #tpu.memory_space<hbm>>
      tpu.enqueue_dma source(%arg8 : memref<128x256xf32, #tpu.memory_space<vmem>>) target(%dma_start3A_175 : memref<128x256xf32, #tpu.memory_space<hbm>>) target_semaphore(%arg14 : memref<!tpu.dma_semaphore, #tpu.memory_space<semaphore_mem>>)
      %mul3A_176 = arith.constant 2 : i32
      %mul3A_177 = arith.muli %mul3A_176, %select_n3A_71 : i32
      %add3A_178 = arith.addi %arg0, %mul3A_177 : i32
      %mul3A_179 = arith.constant 128 : i32
      %mul3A_180 = arith.muli %add3A_178, %mul3A_179 : i32
      %add3A_181 = arith.addi %mul3A_26, %mul3A_180 : i32
      %dma_wait3A_182 = arith.constant 0 : i32
      %dma_wait3A_183 = tpu.memref_slice %arg4[%add3A_181, %dma_wait3A_182] : memref<98304x256xf32, #tpu.memory_space<hbm>> -> memref<128x256xf32, #tpu.memory_space<hbm>>
      %dma_wait3A_184 = arith.constant 0 : i32
      %dma_wait3A_185 = tpu.memref_slice %arg4[%add3A_181, %dma_wait3A_184] : memref<98304x256xf32, #tpu.memory_space<hbm>> -> memref<128x256xf32, #tpu.memory_space<hbm>>
      tpu.wait_dma2 semaphore(%arg14 : memref<!tpu.dma_semaphore, #tpu.memory_space<semaphore_mem>>) src(%arg8 : memref<128x256xf32, #tpu.memory_space<vmem>>) dst(%dma_wait3A_185 : memref<128x256xf32, #tpu.memory_space<hbm>>)
    } else {
    }
    %convert_element_type3A_110 = arith.extui %and3A_75 : i1 to i32
    %add3A_111 = arith.addi %select_n3A_71, %convert_element_type3A_110 : i32
    %while3A_112 = arith.constant 24 : i32
    %while3A_113 = arith.constant 0 : i32
    %while3A_114 = arith.subi %while3A_112, %add3A_111 : i32
    %while3A_115 = arith.addi %add3A_111, %while3A_114 : i32
    %while3A_116 = arith.constant 1 : i32
    %while3A_117 = arith.divsi %while3A_114, %while3A_116 : i32
    %while3A_118 = arith.muli %while3A_117, %while3A_116 : i32
    %while3A_119 = arith.addi %add3A_111, %while3A_118 : i32
    %while3A_120 = arith.constant 1 : i32
    %while3A_121 = scf.for %while3A_136 = %add3A_111 to %while3A_119 step %while3A_120 iter_args(%while3A_137 = %while3A_113) -> (i32)  : i32 {
      %mul3A_138 = arith.constant 2 : i32
      %mul3A_139 = arith.muli %mul3A_138, %while3A_136 : i32
      %add3A_140 = arith.addi %arg0, %mul3A_139 : i32
      %mul3A_141 = arith.constant 128 : i32
      %mul3A_142 = arith.muli %add3A_140, %mul3A_141 : i32
      %add3A_143 = arith.addi %mul3A_26, %mul3A_142 : i32
      %dma_start3A_144 = arith.constant 0 : i32
      %dma_start3A_145 = tpu.memref_slice %arg4[%add3A_143, %dma_start3A_144] : memref<98304x256xf32, #tpu.memory_space<hbm>> -> memref<128x256xf32, #tpu.memory_space<hbm>>
      %dma_start3A_146 = arith.constant 0 : i32
      %dma_start3A_147 = tpu.memref_slice %arg4[%add3A_143, %dma_start3A_146] : memref<98304x256xf32, #tpu.memory_space<hbm>> -> memref<128x256xf32, #tpu.memory_space<hbm>>
      tpu.enqueue_dma source(%arg10 : memref<128x256xf32, #tpu.memory_space<vmem>>) target(%dma_start3A_147 : memref<128x256xf32, #tpu.memory_space<hbm>>) target_semaphore(%arg13 : memref<!tpu.dma_semaphore, #tpu.memory_space<semaphore_mem>>)
      %while3A_148 = arith.constant 0 : i32
      scf.yield %while3A_148 : i32
    }
    %while3A_122 = arith.constant 1 : i32
    %while3A_123 = scf.for %while3A_136 = %while3A_119 to %while3A_115 step %while3A_122 iter_args(%while3A_137 = %while3A_121) -> (i32)  : i32 {
      %mul3A_138 = arith.constant 2 : i32
      %mul3A_139 = arith.muli %mul3A_138, %while3A_136 : i32
      %add3A_140 = arith.addi %arg0, %mul3A_139 : i32
      %mul3A_141 = arith.constant 128 : i32
      %mul3A_142 = arith.muli %add3A_140, %mul3A_141 : i32
      %add3A_143 = arith.addi %mul3A_26, %mul3A_142 : i32
      %dma_start3A_144 = arith.constant 0 : i32
      %dma_start3A_145 = tpu.memref_slice %arg4[%add3A_143, %dma_start3A_144] : memref<98304x256xf32, #tpu.memory_space<hbm>> -> memref<128x256xf32, #tpu.memory_space<hbm>>
      %dma_start3A_146 = arith.constant 0 : i32
      %dma_start3A_147 = tpu.memref_slice %arg4[%add3A_143, %dma_start3A_146] : memref<98304x256xf32, #tpu.memory_space<hbm>> -> memref<128x256xf32, #tpu.memory_space<hbm>>
      tpu.enqueue_dma source(%arg10 : memref<128x256xf32, #tpu.memory_space<vmem>>) target(%dma_start3A_147 : memref<128x256xf32, #tpu.memory_space<hbm>>) target_semaphore(%arg13 : memref<!tpu.dma_semaphore, #tpu.memory_space<semaphore_mem>>)
      %while3A_148 = arith.constant 0 : i32
      scf.yield %while3A_148 : i32
    }
    %while3A_124 = arith.constant 24 : i32
    %while3A_125 = arith.constant 0 : i32
    %while3A_126 = arith.subi %while3A_124, %add3A_111 : i32
    %while3A_127 = arith.addi %add3A_111, %while3A_126 : i32
    %while3A_128 = arith.constant 1 : i32
    %while3A_129 = arith.divsi %while3A_126, %while3A_128 : i32
    %while3A_130 = arith.muli %while3A_129, %while3A_128 : i32
    %while3A_131 = arith.addi %add3A_111, %while3A_130 : i32
    %while3A_132 = arith.constant 1 : i32
    %while3A_133 = scf.for %while3A_136 = %add3A_111 to %while3A_131 step %while3A_132 iter_args(%while3A_137 = %while3A_125) -> (i32)  : i32 {
      %mul3A_138 = arith.constant 2 : i32
      %mul3A_139 = arith.muli %mul3A_138, %while3A_136 : i32
      %add3A_140 = arith.addi %arg0, %mul3A_139 : i32
      %mul3A_141 = arith.constant 128 : i32
      %mul3A_142 = arith.muli %add3A_140, %mul3A_141 : i32
      %add3A_143 = arith.addi %mul3A_26, %mul3A_142 : i32
      %dma_wait3A_144 = arith.constant 0 : i32
      %dma_wait3A_145 = tpu.memref_slice %arg4[%add3A_143, %dma_wait3A_144] : memref<98304x256xf32, #tpu.memory_space<hbm>> -> memref<128x256xf32, #tpu.memory_space<hbm>>
      %dma_wait3A_146 = arith.constant 0 : i32
      %dma_wait3A_147 = tpu.memref_slice %arg4[%add3A_143, %dma_wait3A_146] : memref<98304x256xf32, #tpu.memory_space<hbm>> -> memref<128x256xf32, #tpu.memory_space<hbm>>
      tpu.wait_dma2 semaphore(%arg13 : memref<!tpu.dma_semaphore, #tpu.memory_space<semaphore_mem>>) src(%arg10 : memref<128x256xf32, #tpu.memory_space<vmem>>) dst(%dma_wait3A_147 : memref<128x256xf32, #tpu.memory_space<hbm>>)
      %while3A_148 = arith.constant 0 : i32
      scf.yield %while3A_148 : i32
    }
    %while3A_134 = arith.constant 1 : i32
    %while3A_135 = scf.for %while3A_136 = %while3A_131 to %while3A_127 step %while3A_134 iter_args(%while3A_137 = %while3A_133) -> (i32)  : i32 {
      %mul3A_138 = arith.constant 2 : i32
      %mul3A_139 = arith.muli %mul3A_138, %while3A_136 : i32
      %add3A_140 = arith.addi %arg0, %mul3A_139 : i32
      %mul3A_141 = arith.constant 128 : i32
      %mul3A_142 = arith.muli %add3A_140, %mul3A_141 : i32
      %add3A_143 = arith.addi %mul3A_26, %mul3A_142 : i32
      %dma_wait3A_144 = arith.constant 0 : i32
      %dma_wait3A_145 = tpu.memref_slice %arg4[%add3A_143, %dma_wait3A_144] : memref<98304x256xf32, #tpu.memory_space<hbm>> -> memref<128x256xf32, #tpu.memory_space<hbm>>
      %dma_wait3A_146 = arith.constant 0 : i32
      %dma_wait3A_147 = tpu.memref_slice %arg4[%add3A_143, %dma_wait3A_146] : memref<98304x256xf32, #tpu.memory_space<hbm>> -> memref<128x256xf32, #tpu.memory_space<hbm>>
      tpu.wait_dma2 semaphore(%arg13 : memref<!tpu.dma_semaphore, #tpu.memory_space<semaphore_mem>>) src(%arg10 : memref<128x256xf32, #tpu.memory_space<vmem>>) dst(%dma_wait3A_147 : memref<128x256xf32, #tpu.memory_space<hbm>>)
      %while3A_148 = arith.constant 0 : i32
      scf.yield %while3A_148 : i32
    }
    return
  }
}

</mosaic_0001>

<sc_bundles>
// kernel: kernel.3.cloned.1.call-start
scs
__scs_entry_jumppad:
0x0: {  	(pc) =	sbr.rel $0x88, $3  }
0x1: {  	(tag) =	ssettag $0x0;
	lr =	simm.s32 $0x1  }
0x2: {  	[smem:$0x3F9E] =	sst lr;
	_ =	strace $0xD0000000  }
0x3: {  	_ = 	snop  }
0x4: {  	_ = 	snop  }
0x5: {  	_ = 	snop  }
0x6: {  	_ = 	snop  }
0x7: {  	_ = 	snop  }
__scs_overlays_trampoline_lowered:
0x8: {  	[smem:$0x3FAD] =	sst s0  }
0x9: {  	[smem:$0x3FAE] =	sst s1  }
0xa: {  	[smem:$0x3FAF] =	sst s2  }
0xb: {  	[smem:$0x3FB0] =	sst s3  }
0xc: {  	[smem:$0x3FB1] =	sst s4  }
0xd: {  	[smem:$0x3FB2] =	sst s5  }
0xe: {  	[smem:$0x3FB3] =	sst s6  }
0xf: {  	[smem:$0x3FB4] =	sst s7  }
0x10: {  	[smem:$0x3FB5] =	sst s8  }
0x11: {  	[smem:$0x3FB6] =	sst s9;
	s0 =	simm.s32 @!p0 $0x0  }
0x12: {  	s1 =	sld [smem:$0x3F9C];
	s0 =	simm.s32 @p0 $0x1  }
0x13: {  	[smem:$0x3FB7] =	sst s0;
	s0 =	simm.s32 @!p1 $0x0  }
0x14: {  	s2 =	sld [smem:$0x3F9B];
	s0 =	simm.s32 @p1 $0x1  }
0x15: {  	[smem:$0x3FB8] =	sst s0;
	s0 =	simm.s32 @!p2 $0x0  }
0x16: {  	s3 =	sld [smem:$0x3FDB];
	s0 =	simm.s32 @p2 $0x1  }
0x17: {  	s4 =	simm.s32 $0x1BF5;
	[smem:$0x3FBA] =	sst s0  }
0x18: {  	s0 =	sld [smem:$0x3F9D];
	_ =	swait.ge [sflag:s4], $0x0  }
0x19: {  	s7 =	sld [smem:$0x3F9E]  }
0x1a: {  	s8 =	sadd.s32 $0xFFFFE003, lr  }
0x1b: {  	s9 =	sadd.s32 $0xFFFFFEF7, lr;
	s5 =	simm.s32 $0xFFFFFFFF;
	p2 =	slt.u32 s8, $0xFFFFF086  }
0x1c: {  	p1 =	slt.u32 s9, $0xF7A;
	s5 =	simm.s32 @!p2 $0x0  }
0x1d: {  	s5 =	simm.s32 @p1 $0x1;
	p0 =	seq.s32 s7, s2  }
0x1e: {  	s7 =	smul.u32 @!p0 $0xF7A, s2;
	p2 =	seq.s32 @!p0 s5, $0x0  }
0x1f: {  	s9 =	smul.u32 $0xF7A, s1;
	s8 =	simm.s32 @!p0 $0x1BF5;
	p2 =	por !p2, p0  }
0x20: {  	[sflag:s8] =	ssyncset.s32 @!p0 $0xFFFFF086;
	s6 =	sadd.s32 @!p0 s3, s7;
	s7 =	simm.s32 @!p0 $0x108  }
0x21: {  	s3 =	sadd.s32 s3, s9;
	s6 =	sadd.s32 @!p0 $0x88, s6;
	s7 =	simm.s32 @p2 $0x1082  }
0x22: {  	[simem:s7], [sflag:s8] =	dma.local @!p0 [hbm:s6], $0xF7A  }
0x23: {  	s9 =	sor.u32 $0xD0000000, s2;
	s6 =	simm.s32 $0x108;
	_ =	swait.ge @!p0 [sflag:s8], $0x0  }
0x24: {  	s3 =	sadd.s32 $0x88, s3;
	s6 =	simm.s32 @!p1 $0x1082;
	[sflag:s4] =	ssyncset.s32 $0xFFFFF086  }
0x25: {  	[simem:s6], [sflag:s4] =	dma.local [hbm:s3], $0xF7A  }
0x26: {  	[smem:$0x3F9E] =	sst s1;
	(tag) =	ssettag s2;
	_ =	strace s9  }
0x27: {  	s1 =	sld [smem:$0x3FAE]  }
0x28: {  	s2 =	sld [smem:$0x3FAF]  }
0x29: {  	s4 =	sld [smem:$0x3FB1]  }
0x2a: {  	p0 =	seq.s32 s5, $0x0;
	s5 =	sld [smem:$0x3FB2]  }
0x2b: {  	s6 =	sld [smem:$0x3FB3]  }
0x2c: {  	s7 =	sld [smem:$0x3FB4]  }
0x2d: {  	s3 =	simm.s32 $0x108;
	s8 =	sld [smem:$0x3FB5]  }
0x2e: {  	s3 =	simm.s32 @!p0 $0x1082;
	s9 =	sld [smem:$0x3FB6]  }
0x2f: {  	lr =	sadd.s32 s0, s3;
	s0 =	sld [smem:$0x3FAD]  }
0x30: {  	s3 =	sld [smem:$0x3FB0]  }
0x31: {  	[smem:$0x3FB9] =	sst s10  }
0x32: {  	s10 =	sld [smem:$0x3FB7];
	_ =	sdelay $0x3  }
0x33: {  	p0 =	seq.s32 s10, $0x1;
	s10 =	sld [smem:$0x3FB9];
	_ =	sdelay $0x3  }
0x34: {  	[smem:$0x3FB9] =	sst s10  }
0x35: {  	s10 =	sld [smem:$0x3FB8];
	_ =	sdelay $0x3  }
0x36: {  	p1 =	seq.s32 s10, $0x1;
	s10 =	sld [smem:$0x3FB9];
	_ =	sdelay $0x3  }
0x37: {  	[smem:$0x3FB9] =	sst s10  }
0x38: {  	s10 =	sld [smem:$0x3FBA]  }
0x39: {  	_ = 	snop;
	(pc) =	sbr.ind lr, $3  }
0x3a: {  	_ = 	snop  }
0x3b: {  	_ = 	snop  }
0x3c: {  	p2 =	seq.s32 s10, $0x1;
	s10 =	sld [smem:$0x3FB9]  }
0x3d: {  	_ =	shalt  }
0x3e: {  	_ =	shalt  }
0x3f: {  	_ =	shalt  }
0x40: {  	_ =	shalt  }
0x41: {  	_ =	shalt  }
0x42: {  	_ =	shalt  }
0x43: {  	_ =	shalt  }
0x44: {  	_ =	shalt  }
0x45: {  	_ =	shalt  }
0x46: {  	_ =	shalt  }
0x47: {  	_ =	shalt  }
0x48: {  	_ =	shalt  }
0x49: {  	_ =	shalt  }
0x4a: {  	_ =	shalt  }
0x4b: {  	_ =	shalt  }
0x4c: {  	_ =	shalt  }
0x4d: {  	_ =	shalt  }
0x4e: {  	_ =	shalt  }
0x4f: {  	_ =	shalt  }
0x50: {  	_ =	shalt  }
0x51: {  	_ =	shalt  }
0x52: {  	_ =	shalt  }
0x53: {  	_ =	shalt  }
0x54: {  	_ =	shalt  }
0x55: {  	_ =	shalt  }
0x56: {  	_ =	shalt  }
0x57: {  	_ =	shalt  }
0x58: {  	_ =	shalt  }
0x59: {  	_ =	shalt  }
0x5a: {  	_ =	shalt  }
0x5b: {  	_ =	shalt  }
0x5c: {  	_ =	shalt  }
0x5d: {  	_ =	shalt  }
0x5e: {  	_ =	shalt  }
0x5f: {  	_ =	shalt  }
0x60: {  	_ =	shalt  }
0x61: {  	_ =	shalt  }
0x62: {  	_ =	shalt  }
0x63: {  	_ =	shalt  }
0x64: {  	_ =	shalt  }
0x65: {  	_ =	shalt  }
0x66: {  	_ =	shalt  }
0x67: {  	_ =	shalt  }
0x68: {  	_ =	shalt  }
0x69: {  	_ =	shalt  }
0x6a: {  	_ =	shalt  }
0x6b: {  	_ =	shalt  }
0x6c: {  	_ =	shalt  }
0x6d: {  	_ =	shalt  }
0x6e: {  	_ =	shalt  }
0x6f: {  	_ =	shalt  }
0x70: {  	_ =	shalt  }
0x71: {  	_ =	shalt  }
0x72: {  	_ =	shalt  }
0x73: {  	_ =	shalt  }
0x74: {  	_ =	shalt  }
0x75: {  	_ =	shalt  }
0x76: {  	_ =	shalt  }
0x77: {  	_ =	shalt  }
0x78: {  	_ =	shalt  }
0x79: {  	_ =	shalt  }
0x7a: {  	_ =	shalt  }
0x7b: {  	_ =	shalt  }
0x7c: {  	_ =	shalt  }
0x7d: {  	_ =	shalt  }
0x7e: {  	_ =	shalt  }
0x7f: {  	_ =	shalt  }
0x80: {  	_ =	shalt  }
0x81: {  	_ =	shalt  }
0x82: {  	_ =	shalt  }
0x83: {  	_ =	shalt  }
0x84: {  	_ =	shalt  }
0x85: {  	_ =	shalt  }
0x86: {  	_ =	shalt  }
0x87: {  	_ =	shalt  }
.Lfunc_end0:
.L_simem_size_0:
called_computation_lowered:
.L_overlay_start_0:
0x88: {  	s2 =	sld [smem:$0x3FD9]  }
0x89: {  	s3 =	sld [smem:$0x3FFE];
	_ =	sdelay $0x1  }
0x8a: {  	s1 =	srdreg.scid  }
0x8b: {  	s0 =	sand.u32 $0x1, s1  }
0x8c: {  	s14 =	sshll.u32 s0, $0xA;
	s2 =	sadd.s32 s3, s2  }
0x8d: {  	s2 =	sadd.s32 s2, s14  }
0x8e: {  	[smem:$0x3FC5] =	sst s2  }
0x8f: {  	_ = 	snop  }
0x90: {  	s2 =	sld [smem:$0x3FD0];
	_ =	sdelay $0x2  }
0x91: {  	s4 =	simm.s32 $0xA;
	s5 =	simm.s32 $0x10;
	s15 =	sld [smem:$0x3FC9]  }
0x92: {  	[smem:s5], [sflag:s4] =	dma.local [hbm:s2], $0x1  }
0x93: {  	_ =	swait.eq [sflag:s4], $0x1  }
0x94: {  	[sflag:s4] =	ssyncset.done $0x0  }
0x95: {  	[sflag:s4] =	ssyncadd.s32 $0xFFFFFFFF  }
0x96: {  	s16 =	sld [smem:$0x10];
	(tm) =	ssettm $0x1  }
0x97: {  	s17 =	sld [smem:$0x3FFB];
	_ =	sdelay $0x3  }
0x98: {  	_ =	strace s17  }
0x99: {  	s4 =	sld [smem:$0x3FFC];
	_ =	sdelay $0x3  }
0x9a: {  	_ =	strace s4  }
0x9b: {  	s4 =	sld [smem:$0x3FFD];
	_ =	sdelay $0x3  }
0x9c: {  	_ =	strace s4  }
0x9d: {  	_ =	strace $0x8FFFFFFF  }
0x9e: {  	s18 =	sld [smem:$0x3FDB];
	_ =	sdelay $0x1  }
0x9f: {  	s19 =	simm.s32 $_scs_section_size  }
0xa0: {  	s6 =	simm.s32 $_size__tile_overlayer_lowered;
	s7 =	simm.s32 $_tile_overlayer_lowered  }
0xa1: {  	s22 =	simm.s32 $0x1BFF;
	s21 =	sshll.u32 s7, $0x1;
	s4 =	sadd.s32 s19, s18  }
0xa2: {  	s8 =	simm.s32 $0x0;
	s20 =	sshll.u32 s6, $0x1;
	s6 =	sadd.s32 s21, s4  }
0xa3: {  	[timem:s8], [sflag:s22] =	dma.local [hbm:s6], s20  }
0xa4: {  	_ =	swait.ge [sflag:s22], s20  }
0xa5: {  	s5 =	ssub.s32 $0x0, s20;
	[sflag:s22] =	ssyncset.done $0x0  }
0xa6: {  	[sflag:s22] =	ssyncadd.s32 s5;
	_ =	sdelay $0x1  }
0xa7: {  	s23 =	simm.s32 $0x1B8B  }
0xa8: {  	_ =	swait.ge [sflag:s23], $0x1  }
0xa9: {  	[sflag:s23] =	ssyncset.done $0x0  }
0xaa: {  	s25 =	simm.s32 $0x1B8E;
	s24 =	sld [smem:$0x3FFE];
	[sflag:s23] =	ssyncadd.s32 $0xFFFFFFFF  }
0xab: {  	s26 =	simm.s32 $execute0_lowered;
	[smem:$0x3FD2] =	sst s25  }
0xac: {  	s6 =	sshll.u32 s26, $0x1;
	_ =	strace $0x80000046;
	[dreg:$0x1] =	wrdreg $0xFFFFFFFF  }
0xad: {  	s28 =	simm.s32 $_size_execute0_lowered;
	s4 =	sadd.s32 s4, s6;
	[dreg:$0x0] =	wrdreg $0x0  }
0xae: {  	s6 =	sshll.u32 s28, $0x1;
	[dreg:$0x2] =	wrdreg s4  }
0xaf: {  	[dreg:$0x3] =	wrdreg s6  }
0xb0: {  	[dreg:$0x4] =	wrdreg $0xC0  }
0xb1: {  	_ =	task [dreg:s8], $0x5FFFF  }
0xb2: {  	[dreg:$0x1] =	wrdreg $0xFFFFFFFF  }
0xb3: {  	[dreg:$0x0] =	wrdreg $0x60  }
0xb4: {  	[dreg:$0x2] =	wrdreg s15  }
0xb5: {  	[dreg:$0x3] =	wrdreg s24  }
0xb6: {  	[dreg:$0x4] =	wrdreg s16  }
0xb7: {  	[dreg:$0x5] =	wrdreg $0x9  }
0xb8: {  	_ =	task.clear_ibuf [dreg:s8], $0x6FFFF;
	_ =	strace $0x90000046  }
0xb9: {  	s29 =	simm.s32 $0x9;
	_ =	strace $0x80000048  }
0xba: {  	_ =	swait.ge [sflag:s29], $0x1  }
0xbb: {  	[sflag:s29] =	ssyncadd.s32 $0xFFFFFFFF  }
0xbc: {  	_ =	strace $0x90000048  }
0xbd: {  	_ =	sfence  }
0xbe: {  	s30 =	sld [smem:$0x0];
	_ =	sdelay $0x2  }
0xbf: {  	s31 =	sshll.u32 s1, $0xD;
	s1 =	sshrl.u32 s1, $0x2  }
0xc0: {  	s3 =	sand.u32 $0x4000, s31;
	s1 =	sadd.s32 s1, s30  }
0xc1: {  	s0 =	sor.u32 s3, s0;
	s1 =	sshll.u32 s1, $0x11  }
0xc2: {  	s0 =	sor.u32 s1, s0  }
0xc3: {  	s0 =	sadd.s32 $0x8F2B, s0  }
0xc4: {  	[sflag:s0] =	ssyncadd.remote.s32 $0x1  }
0xc5: {  	_ =	sfence.sel $0xFFFF  }
0xc6: {  	[dreg:$0x0] =	wrdreg $0xFFFFFFFF;
	(pc) =	sbr.abs _section_cstart, $3  }
0xc7: {  	[dreg:$0x1] =	wrdreg $0xFFFFFFFF  }
0xc8: {  	_ =	task.clear_ibuf [dreg:s8], $0x2FFFF;
	_ =	strace $0x9FFFFFFF  }
0xc9: {  	(tm) =	ssettm $0x7FFFFFFF  }
tec
execute0_lowered:
.L_overlay_start_1:
0x0: {  	(tag) =	ssettag $0x1  }
0x1: {  	s1 =	rddreg [dreg:$0x0]  }
0x2: {  	s0 =	rddreg [dreg:$0x1]  }
0x3: {  	s10 =	rddreg [dreg:$0x2];
	s4 =	simm.s32 $0x0;
	s8 =	stileid.u32  }
0x4: {  	s5 =	srdreg.scid;
	s28 =	simm.s32 $0x6800;
	s29 =	simm.s32 $0x7000  }
0x5: {  	s30 =	simm.s32 $0x7800;
	s31 =	simm.s32 $0x8000;
	s14 =	simm.s32 $0x3  }
0x6: {  	s15 =	simm.s32 $0x2;
	s13 =	simm.s32 $0x0;
	[smem:$0x7FF] =	sst s4  }
0x7: {  	s2 =	sshll.u32 s8, $0x7;
	s3 =	sshrl.u32 s8, $0x3;
	s21 =	smul.u32 $0x30000, s8  }
0x8: {  	s24 =	sand.u32 $0x1, s5;
	s20 =	sshll.u32 s8, $0xB;
	s22 =	smul.u32 $0x1800, s8  }
0x9: {  	s8 =	simm.s32 $0xA000;
	_ =	strace $0x80000047;
	s2 =	sand.u32 $0x380, s2  }
0xa: {  	s6 =	sshll.u32 s3, $0xA;
	s3 =	sshll.u32 s3, $0xE;
	s17 =	ssub.s32 $0x2, s24  }
0xb: {  	s7 =	sshll.u32 s24, $0x7;
	s23 =	sshll.u32 s24, $0xC;
	s12 =	sor.u32 $0x30, s20  }
0xc: {  	p0 =	sne.s32 s24, $0x0;
	s16 =	sor.u32 s2, s6;
	s2 =	sor.u32 s2, s3  }
0xd: {  	s19 =	sshrl.u32 s17, $0x1;
	[dreg:$0x5] =	wrdreg s22;
	s9 =	sor.u32 $0x800, s7  }
0xe: {  	s26 =	sor.u32 s21, s23;
	s18 =	sshrl.u32 s16, $0x3;
	s2 =	sshrl.u32 s2, $0x3  }
0xf: {  	s5 =	ssub.s32 s17, s19;
	s11 =	sadd.s32 s10, s26;
	s16 =	simm.s32 $0x1  }
0x10: {  	s17 =	simm.s32 $0x800;
	s3 =	sadd.s32 s18, s0;
	s0 =	sadd.s32 s0, s2  }
.Ltmp0:
0x11: {  	s25 =	smax.u32 s5, $0x1;
	s18 =	simm.s32 $0x2000;
	(pc) =	sbr.rel .LBB2_1-.Ltmp0, $4  }
0x12: {  	s2 =	simm.s32 $0x9000;
	[dreg:$0x4] =	wrdreg s0;
	s3 =	sadd.s32 $0x1000, s3  }
0x13: {  	v0 =	vlaneseq.u32;
	vm0 =	vmmov $0xffff;
	v6 =	vimm.f32 $0.0e+00;
	[dreg:$0x7] =	wrdreg s25;
	s0 =	sadd.s32 s21, s10;
	s10 =	simm.s32 $0x12000  }
0x14: {  	v4 =	vshrl.u32 v0, $0x3;
	v3 =	vand.u32 $0x7, v0;
	v5 =	vor.u32 $0x8, v0;
	[dreg:$0x6] =	wrdreg s3;
	s0 =	sadd.s32 s23, s0;
	s23 =	simm.s32 $0x2800  }
0x15: {  	v1 =	vmov s20;
	v4 =	vmul.u32 $0x8, v4;
	v2 =	vmov s9;
	s3 =	simm.s32 $0x9800;
	[dreg:$0x8] =	wrdreg s0;
	s0 =	simm.s32 $0x8800  }
.LBB2_31:
0x16: {  	[sflag:s15] =	ssyncadd.s32 $0xFFFF8000  }
.LBB2_32:
0x17: {  	s13 =	sadd.s32 $0x1, s13;
	s5 =	rddreg [dreg:$0x7]  }
0x18: {  	p1 =	sne.s32 s13, s5  }
.Ltmp1:
0x19: {  	_ = 	snop;
	(pc) =	sbr.rel @!p1 .LBB2_33-.Ltmp1, $1  }
0x1a: {  	_ =	sdelay $0x3  }
.LBB2_1:
0x1b: {  	s5 =	simm.s32 $0x70  }
0x1c: {  	s6 =	simm.s32 $0x10;
	s9 =	simm.s32 $0x60;
	s19 =	simm.s32 $0x30;
	v7 =	vor.u32 s5, v0  }
0x1d: {  	s20 =	simm.s32 $0x0;
	s21 =	simm.s32 $0x40;
	s22 =	simm.s32 $0x50;
	v8 =	vor.u32 s6, v0;
	v9 =	vor.u32 s9, v0;
	v11 =	vor.u32 s19, v0  }
0x1e: {  	s6 =	simm.s32 $0x20;
	v12 =	vor.u32 s20, v0;
	v13 =	vor.u32 s21, v0;
	v14 =	vor.u32 s22, v0  }
0x1f: {  	s25 =	rddreg [dreg:$0x4];
	v7 =	vand.u32 $0x7FF, v7;
	v10 =	vor.u32 s6, v0;
	v9 =	vand.u32 $0x7EF, v9  }
0x20: {  	s26 =	simm.s32 $0x80;
	s19 =	simm.s32 $0x400;
	s5 =	simm.s32 $0x840;
	v12 =	vand.u32 $0x78F, v12;
	v8 =	vand.u32 $0x79F, v8;
	v16 =	vand.u32 $0x7BF, v11  }
0x21: {  	[tilespmem:s4], [sflag:$0x1] =	stream.strided.gather [hbm4b:s25+s26], $0x800, s19, s26, $0x38;
	v13 =	vand.u32 $0x7CF, v13;
	v9 =	vor.u32 v1, v9;
	v15 =	vand.u32 $0x7AF, v10;
	[tilespmem:$0x1A080] =	vst v63  }
0x22: {  	v10 =	vand.u32 $0x7DF, v14;
	[tilespmem:s5+$0x20] =	vst v9;
	v9 =	vor.u32 v1, v12;
	v12 =	vor.u32 v1, v8  }
0x23: {  	s9 =	simm.s32 $0x0;
	s19 =	simm.s32 $0xF0;
	s6 =	simm.s32 $0x840;
	v11 =	vor.u32 v1, v15;
	v8 =	vor.u32 v1, v13;
	[tilespmem:s5+$0xFFFFFFC0] =	vst v9;
	v9 =	vor.u32 v1, v16  }
.LBB2_2:
0x24: {  	s20 =	sadd.s32 $0xFFFFFFA0, s19;
	s21 =	sadd.s32 $0xFFFFFFF0, s19;
	v13 =	vor.u32 s19, v0;
	s9 =	sadd.s32 $0x8, s9;
	[tilespmem:s5+$0xFFFFFFD0] =	vst v12;
	v10 =	vor.u32 v1, v10;
	v14 =	vor.u32 v1, v7  }
0x25: {  	s22 =	sadd.s32 $0xFFFFFFC0, s19;
	v12 =	vor.u32 s20, v0;
	s20 =	sadd.s32 $0xFFFFFFB0, s19;
	v15 =	vor.u32 s21, v0;
	v7 =	vand.u32 $0x7FF, v13;
	p1 =	slt.u32 s9, $0x178;
	[tilespmem:s5+$0xFFFFFFE0] =	vst v11  }
0x26: {  	s21 =	sadd.s32 $0xFFFFFF90, s19;
	v13 =	vor.u32 s22, v0;
	s22 =	sadd.s32 $0xFFFFFFE0, s19;
	v11 =	vor.u32 s20, v0;
	s20 =	sadd.s32 $0xFFFFFFD0, s19;
	v15 =	vand.u32 $0x7EF, v15;
	[tilespmem:s5+$0xFFFFFFF0] =	vst v9  }
.Ltmp2:
0x27: {  	v9 =	vor.u32 s21, v0;
	s5 =	sadd.s32 $0x80, s5;
	v16 =	vor.u32 s20, v0;
	v15 =	vor.u32 v1, v15;
	[tilespmem:s6+$0x0] =	vst v8;
	(pc) =	sbr.rel @p1 .LBB2_2-.Ltmp2, $4  }
0x28: {  	v17 =	vor.u32 s22, v0;
	v8 =	vand.u32 $0x78F, v9;
	v9 =	vand.u32 $0x79F, v12;
	[tilespmem:s5+$0x20] =	vst v15  }
0x29: {  	v13 =	vand.u32 $0x7BF, v13;
	v11 =	vand.u32 $0x7AF, v11;
	v15 =	vand.u32 $0x7CF, v16;
	[tilespmem:s6+$0x10] =	vst v10  }
0x2a: {  	v8 =	vor.u32 v1, v8;
	v12 =	vor.u32 v1, v9;
	v10 =	vand.u32 $0x7DF, v17;
	[tilespmem:s6+$0x30] =	vst v14;
	s6 =	smov.u32 s5  }
0x2b: {  	s19 =	sadd.s32 $0x80, s19;
	v11 =	vor.u32 v1, v11;
	v9 =	vor.u32 v1, v13;
	[tilespmem:s5+$0xFFFFFFC0] =	vst v8;
	v8 =	vor.u32 v1, v15  }
0x2c: {  	[tilespmem:s5+$0xFFFFFFD0] =	vst v12  }
0x2d: {  	[tilespmem:s5+$0xFFFFFFE0] =	vst v11  }
0x2e: {  	[tilespmem:s5+$0xFFFFFFF0] =	vst v9  }
0x2f: {  	v53 =	vor.u32 v1, v10;
	[tilespmem:s6+$0x0] =	vst v8  }
0x30: {  	v7 =	vor.u32 v1, v7;
	[tilespmem:s6+$0x10] =	vst v53  }
0x31: {  	[tilespmem:s6+$0x30] =	vst v7  }
0x32: {  	_ =	swait.ge [sflag:s16], $0x800  }
0x33: {  	[sflag:s16] =	ssyncset.done $0x0  }
0x34: {  	s26 =	simm.s32 $0x20;
	[sflag:s16] =	ssyncadd.s32 $0xFFFFF800  }
0x35: {  	v7 =	vld [tilespmem:s26+$0xFFFFFFE0];
	_ =	sdelay $0x4  }
0x36: {  	(xrf0) =	vadd.scan.msk.s32 $0xffff, v7;
	_ =	sdelay $0x4  }
0x37: {  	s19 =	simm.s32 $0x0  }
0x38: {  	v8 =	vsub.s32 s19, v7;
	vm1 =	vgt.s32 v7, $0x0;
	v54, _, _ =	vpop (xrf0)  }
0x39: {  	vm2 =	vgt.s32 v7, $0x1;
	v8 =	vadd.s32 v54, v8  }
0x3a: {  	vm3 =	vgt.s32 v7, $0x2;
	v55 =	vadd.s32 $0x1, v8  }
0x3b: {  	v7 =	vadd.s32 $0x2, v8  }
0x3c: {  	s20 =	sadd.s32 $0xFFFFFFD0, s12  }
0x3d: {  	v56 =	vor.u32 s20, v0;
	(v2sf) =	vpush v54, $0xF  }
0x3e: {  	[tilespmem:v8+s17+$0x0] =	vst.idx.msk vm1, v56  }
0x3f: {  	[tilespmem:v55+s17+$0x0] =	vst.idx.msk vm2, v56  }
0x40: {  	[tilespmem:v7+s17+$0x0] =	vst.idx.msk vm3, v56  }
0x41: {  	v7 =	vld [tilespmem:s26+$0xFFFFFFF0];
	_ =	sdelay $0x4  }
0x42: {  	(xrf0) =	vadd.scan.msk.s32 $0xffff, v7;
	_ =	sdelay $0x5  }
0x43: {  	s21 =	spop (v2sf);
	v8, _, _ =	vpop (xrf0)  }
0x44: {  	vm1 =	vgt.s32 v7, $0x0;
	s6 =	sadd.s32 $0x0, s21;
	v57 =	vsub.s32 v8, v7  }
0x45: {  	vm2 =	vgt.s32 v7, $0x1;
	v9 =	vadd.s32 s6, v57  }
0x46: {  	vm3 =	vgt.s32 v7, $0x2;
	v58 =	vadd.s32 $0x1, v9  }
0x47: {  	v7 =	vadd.s32 $0x2, v9  }
0x48: {  	s9 =	sadd.s32 $0xFFFFFFE0, s12  }
0x49: {  	(v2sf) =	vpush v8, $0xF;
	v8 =	vor.u32 s9, v0  }
0x4a: {  	[tilespmem:v9+s17+$0x0] =	vst.idx.msk vm1, v8  }
0x4b: {  	[tilespmem:v58+s17+$0x0] =	vst.idx.msk vm2, v8  }
0x4c: {  	[tilespmem:v7+s17+$0x0] =	vst.idx.msk vm3, v8  }
0x4d: {  	v7 =	vld [tilespmem:s26+$0x0];
	_ =	sdelay $0x4  }
0x4e: {  	(xrf0) =	vadd.scan.msk.s32 $0xffff, v7;
	_ =	sdelay $0x5  }
0x4f: {  	s22 =	spop (v2sf);
	v8, _, _ =	vpop (xrf0)  }
0x50: {  	vm1 =	vgt.s32 v7, $0x0;
	s6 =	sadd.s32 s6, s22;
	v59 =	vsub.s32 v8, v7  }
0x51: {  	vm2 =	vgt.s32 v7, $0x1;
	v9 =	vadd.s32 s6, v59  }
0x52: {  	vm3 =	vgt.s32 v7, $0x2;
	v60 =	vadd.s32 $0x1, v9  }
0x53: {  	v7 =	vadd.s32 $0x2, v9  }
0x54: {  	s25 =	sadd.s32 $0xFFFFFFF0, s12  }
0x55: {  	v61 =	vor.u32 s25, v0;
	(v2sf) =	vpush v8, $0xF  }
0x56: {  	[tilespmem:v9+s17+$0x0] =	vst.idx.msk vm1, v61  }
0x57: {  	[tilespmem:v60+s17+$0x0] =	vst.idx.msk vm2, v61  }
0x58: {  	[tilespmem:v7+s17+$0x0] =	vst.idx.msk vm3, v61  }
0x59: {  	v7 =	vld [tilespmem:s26+$0x10];
	_ =	sdelay $0x4  }
0x5a: {  	(xrf0) =	vadd.scan.msk.s32 $0xffff, v7;
	_ =	sdelay $0x5  }
0x5b: {  	s26 =	spop (v2sf);
	v8, _, _ =	vpop (xrf0)  }
0x5c: {  	vm1 =	vgt.s32 v7, $0x0;
	s19 =	sadd.s32 s6, s26;
	(v2sf) =	vpush v8, $0xF;
	v8 =	vsub.s32 v8, v7  }
0x5d: {  	vm2 =	vgt.s32 v7, $0x1;
	v8 =	vadd.s32 s19, v8  }
0x5e: {  	vm3 =	vgt.s32 v7, $0x2;
	v62 =	vadd.s32 $0x1, v8  }
0x5f: {  	v7 =	vadd.s32 $0x2, v8;
	_ =	sdelay $0x1  }
0x60: {  	v63 =	vor.u32 s12, v0  }
0x61: {  	[tilespmem:v8+s17+$0x0] =	vst.idx.msk vm1, v63  }
0x62: {  	[tilespmem:v62+s17+$0x0] =	vst.idx.msk vm2, v63  }
0x63: {  	s5 =	simm.s32 $0x60;
	[tilespmem:v7+s17+$0x0] =	vst.idx.msk vm3, v63  }
0x64: {  	v7 =	vld [tilespmem:s5+$0xFFFFFFE0];
	_ =	sdelay $0x4  }
0x65: {  	(xrf0) =	vadd.scan.msk.s32 $0xffff, v7  }
0x66: {  	s9 =	simm.s32 $0x4;
	s6 =	smov.u32 s12;
	s20 =	spop (v2sf)  }
.LBB2_4:
0x67: {  	s9 =	sadd.s32 $0x4, s9;
	s19 =	sadd.s32 s19, s20;
	s6 =	sadd.s32 $0x40, s6  }
0x68: {  	p1 =	slt.u32 s9, $0x7C;
	_ =	sdelay $0x2  }
0x69: {  	vm1 =	vgt.s32 v7, $0x0;
	v8 =	vsub.s32 s19, v7;
	v9, _, _ =	vpop (xrf0)  }
0x6a: {  	vm2 =	vgt.s32 v7, $0x1;
	v8 =	vadd.s32 v9, v8;
	(v2sf) =	vpush v9, $0xF  }
0x6b: {  	vm3 =	vgt.s32 v7, $0x2;
	v9 =	vadd.s32 $0x1, v8  }
0x6c: {  	v7 =	vadd.s32 $0x2, v8  }
0x6d: {  	s20 =	sadd.s32 $0xFFFFFFD0, s6  }
0x6e: {  	v10 =	vor.u32 s20, v0  }
0x6f: {  	[tilespmem:v8+s17+$0x0] =	vst.idx.msk vm1, v10  }
0x70: {  	[tilespmem:v9+s17+$0x0] =	vst.idx.msk vm2, v10  }
0x71: {  	[tilespmem:v7+s17+$0x0] =	vst.idx.msk vm3, v10  }
0x72: {  	v7 =	vld [tilespmem:s5+$0xFFFFFFF0];
	_ =	sdelay $0x4  }
0x73: {  	(xrf0) =	vadd.scan.msk.s32 $0xffff, v7;
	_ =	sdelay $0x1  }
0x74: {  	s20 =	spop (v2sf);
	_ =	sdelay $0x3  }
0x75: {  	v8, _, _ =	vpop (xrf0)  }
0x76: {  	vm1 =	vgt.s32 v7, $0x0;
	s19 =	sadd.s32 s19, s20;
	v9 =	vsub.s32 v8, v7;
	(v2sf) =	vpush v8, $0xF  }
0x77: {  	vm2 =	vgt.s32 v7, $0x1;
	v8 =	vadd.s32 s19, v9  }
0x78: {  	vm3 =	vgt.s32 v7, $0x2;
	v9 =	vadd.s32 $0x1, v8  }
0x79: {  	v7 =	vadd.s32 $0x2, v8  }
0x7a: {  	s20 =	sadd.s32 $0xFFFFFFE0, s6  }
0x7b: {  	v10 =	vor.u32 s20, v0  }
0x7c: {  	[tilespmem:v8+s17+$0x0] =	vst.idx.msk vm1, v10  }
0x7d: {  	[tilespmem:v9+s17+$0x0] =	vst.idx.msk vm2, v10  }
0x7e: {  	[tilespmem:v7+s17+$0x0] =	vst.idx.msk vm3, v10  }
0x7f: {  	v7 =	vld [tilespmem:s5+$0x0];
	_ =	sdelay $0x4  }
0x80: {  	(xrf0) =	vadd.scan.msk.s32 $0xffff, v7  }
0x81: {  	s20 =	spop (v2sf)  }
0x82: {  	s19 =	sadd.s32 s19, s20;
	_ =	sdelay $0x3  }
0x83: {  	v8, _, _ =	vpop (xrf0)  }
0x84: {  	vm1 =	vgt.s32 v7, $0x0;
	v9 =	vsub.s32 v8, v7;
	(v2sf) =	vpush v8, $0xF  }
0x85: {  	vm2 =	vgt.s32 v7, $0x1;
	v8 =	vadd.s32 s19, v9  }
0x86: {  	vm3 =	vgt.s32 v7, $0x2;
	v9 =	vadd.s32 $0x1, v8  }
0x87: {  	v7 =	vadd.s32 $0x2, v8  }
0x88: {  	s20 =	sadd.s32 $0xFFFFFFF0, s6  }
0x89: {  	v10 =	vor.u32 s20, v0  }
0x8a: {  	[tilespmem:v8+s17+$0x0] =	vst.idx.msk vm1, v10  }
0x8b: {  	[tilespmem:v9+s17+$0x0] =	vst.idx.msk vm2, v10  }
0x8c: {  	[tilespmem:v7+s17+$0x0] =	vst.idx.msk vm3, v10  }
0x8d: {  	v7 =	vld [tilespmem:s5+$0x10];
	_ =	sdelay $0x4  }
0x8e: {  	(xrf0) =	vadd.scan.msk.s32 $0xffff, v7  }
0x8f: {  	s20 =	spop (v2sf);
	_ =	sdelay $0x4  }
0x90: {  	v8, _, _ =	vpop (xrf0)  }
0x91: {  	vm1 =	vgt.s32 v7, $0x0;
	s19 =	sadd.s32 s19, s20;
	v9 =	vsub.s32 v8, v7;
	(v2sf) =	vpush v8, $0xF  }
0x92: {  	vm2 =	vgt.s32 v7, $0x1;
	v8 =	vadd.s32 s19, v9  }
0x93: {  	vm3 =	vgt.s32 v7, $0x2;
	v9 =	vadd.s32 $0x1, v8  }
0x94: {  	v7 =	vadd.s32 $0x2, v8;
	_ =	sdelay $0x1  }
0x95: {  	v10 =	vor.u32 s6, v0  }
0x96: {  	[tilespmem:v8+s17+$0x0] =	vst.idx.msk vm1, v10  }
0x97: {  	[tilespmem:v9+s17+$0x0] =	vst.idx.msk vm2, v10  }
0x98: {  	s5 =	sadd.s32 $0x40, s5;
	[tilespmem:v7+s17+$0x0] =	vst.idx.msk vm3, v10  }
0x99: {  	v7 =	vld [tilespmem:s5+$0xFFFFFFE0];
	_ =	sdelay $0x1  }
.Ltmp3:
0x9a: {  	(pc) =	sbr.rel @p1 .LBB2_4-.Ltmp3, $3  }
0x9b: {  	_ =	sdelay $0x1  }
0x9c: {  	(xrf0) =	vadd.scan.msk.s32 $0xffff, v7  }
0x9d: {  	s20 =	spop (v2sf)  }
0x9e: {  	_ =	sdelay $0x2  }
0x9f: {  	s9 =	sadd.s32 s19, s20  }
0xa0: {  	vm1 =	vgt.s32 v7, $0x0;
	v8 =	vsub.s32 s9, v7;
	v9, _, _ =	vpop (xrf0)  }
0xa1: {  	vm2 =	vgt.s32 v7, $0x1;
	v8 =	vadd.s32 v9, v8  }
0xa2: {  	vm3 =	vgt.s32 v7, $0x2;
	v10 =	vadd.s32 $0x1, v8  }
0xa3: {  	s6 =	sadd.s32 $0x40, s6;
	v7 =	vadd.s32 $0x2, v8  }
0xa4: {  	s21 =	sadd.s32 $0xFFFFFFD0, s6  }
0xa5: {  	v57 =	vor.u32 s21, v0;
	(v2sf) =	vpush v9, $0xF  }
0xa6: {  	[tilespmem:v8+s17+$0x0] =	vst.idx.msk vm1, v57  }
0xa7: {  	[tilespmem:v10+s17+$0x0] =	vst.idx.msk vm2, v57  }
0xa8: {  	[tilespmem:v7+s17+$0x0] =	vst.idx.msk vm3, v57  }
0xa9: {  	v7 =	vld [tilespmem:s5+$0xFFFFFFF0];
	_ =	sdelay $0x4  }
0xaa: {  	(xrf0) =	vadd.scan.msk.s32 $0xffff, v7;
	_ =	sdelay $0x5  }
0xab: {  	s22 =	spop (v2sf);
	v8, _, _ =	vpop (xrf0)  }
0xac: {  	vm1 =	vgt.s32 v7, $0x0;
	s9 =	sadd.s32 s9, s22;
	v58 =	vsub.s32 v8, v7  }
0xad: {  	vm2 =	vgt.s32 v7, $0x1;
	v9 =	vadd.s32 s9, v58  }
0xae: {  	vm3 =	vgt.s32 v7, $0x2;
	v59 =	vadd.s32 $0x1, v9  }
0xaf: {  	v7 =	vadd.s32 $0x2, v9  }
0xb0: {  	s25 =	sadd.s32 $0xFFFFFFE0, s6  }
0xb1: {  	(v2sf) =	vpush v8, $0xF;
	v8 =	vor.u32 s25, v0  }
0xb2: {  	[tilespmem:v9+s17+$0x0] =	vst.idx.msk vm1, v8  }
0xb3: {  	[tilespmem:v59+s17+$0x0] =	vst.idx.msk vm2, v8  }
0xb4: {  	[tilespmem:v7+s17+$0x0] =	vst.idx.msk vm3, v8  }
0xb5: {  	v7 =	vld [tilespmem:s5+$0x0];
	_ =	sdelay $0x4  }
0xb6: {  	(xrf0) =	vadd.scan.msk.s32 $0xffff, v7;
	_ =	sdelay $0x5  }
0xb7: {  	s26 =	spop (v2sf);
	v8, _, _ =	vpop (xrf0)  }
0xb8: {  	vm1 =	vgt.s32 v7, $0x0;
	s9 =	sadd.s32 s9, s26;
	v60 =	vsub.s32 v8, v7  }
0xb9: {  	vm2 =	vgt.s32 v7, $0x1;
	v9 =	vadd.s32 s9, v60  }
0xba: {  	vm3 =	vgt.s32 v7, $0x2;
	v61 =	vadd.s32 $0x1, v9  }
0xbb: {  	v7 =	vadd.s32 $0x2, v9  }
0xbc: {  	s20 =	sadd.s32 $0xFFFFFFF0, s6  }
0xbd: {  	v11 =	vor.u32 s20, v0  }
0xbe: {  	[tilespmem:v9+s17+$0x0] =	vst.idx.msk vm1, v11  }
0xbf: {  	[tilespmem:v61+s17+$0x0] =	vst.idx.msk vm2, v11  }
0xc0: {  	[tilespmem:v7+s17+$0x0] =	vst.idx.msk vm3, v11  }
0xc1: {  	v7 =	vld [tilespmem:s5+$0x10];
	_ =	sdelay $0x4  }
0xc2: {  	(xrf0) =	vadd.scan.msk.s32 $0xffff, v7;
	_ =	sdelay $0x5  }
0xc3: {  	(v2sf) =	vpush v8, $0xF;
	v8, _, _ =	vpop (xrf0)  }
0xc4: {  	(v2sf) =	vpush v8, $0xF;
	_ =	sdelay $0xd  }
0xc5: {  	s21 =	spop (v2sf)  }
0xc6: {  	s5 =	sadd.s32 s9, s21;
	s22 =	spop (v2sf)  }
0xc7: {  	s9 =	sadd.s32 s5, s22  }
0xc8: {  	s25 =	sand.u32 $0x7F, s9  }
0xc9: {  	s26 =	sshra.s32 s9, $0x1F;
	p1 =	slt.s32 s9, $0x1;
	p2 =	sne.s32 s25, $0x0  }
0xca: {  	s21 =	sshrl.u32 s26, $0x19;
	p1 =	por !p1, !p2  }
0xcb: {  	s20 =	simm.s32 $0x1;
	s19 =	sadd.s32 s21, s9;
	p1 =	por !p1, !p1  }
0xcc: {  	s19 =	sshra.s32 s19, $0x7;
	s20 =	simm.s32 @!p1 $0x0  }
0xcd: {  	s19 =	ssub.s32 s19, s20  }
0xce: {  	s20 =	sadd.s32 $0x1, s19  }
0xcf: {  	s21 =	ssub.s32 s20, s24;
	p1 =	sne.s32 s20, s24;
	s20 =	simm.s32 $0x1  }
0xd0: {  	s22 =	sshra.s32 s21, $0x1F;
	s20 =	simm.s32 @!p1 $0x0  }
0xd1: {  	s25 =	sand.u32 $0x1, s21;
	s22 =	sor.u32 s20, s22  }
0xd2: {  	p6 =	seq.s32 s25, $0x1;
	p5 =	sne.s32 s22, $0x1  }
0xd3: {  	v8 =	vsub.s32 v8, v7;
	s26 =	sshrl.u32 s21, $0x1F;
	p1 =	por !p5, !p6  }
0xd4: {  	vm1 =	vgt.s32 v7, $0x0;
	v8 =	vadd.s32 s5, v8;
	s5 =	sadd.s32 s26, s21;
	s20 =	simm.s32 $0x1;
	p1 =	por !p1, !p1  }
0xd5: {  	vm2 =	vgt.s32 v7, $0x1;
	s5 =	sshra.s32 s5, $0x1;
	s20 =	simm.s32 @!p1 $0x0  }
0xd6: {  	v63 =	vor.u32 s6, v0;
	vm3 =	vgt.s32 v7, $0x2;
	v62 =	vadd.s32 $0x1, v8;
	s6 =	ssub.s32 s5, s20  }
0xd7: {  	v7 =	vadd.s32 $0x2, v8;
	p2 =	sgt.s32 s6, $0x0  }
.Ltmp4:
0xd8: {  	_ = 	snop;
	(pc) =	sbr.rel @!p2 .LBB2_6-.Ltmp4, $4  }
0xd9: {  	_ = 	snop  }
0xda: {  	[tilespmem:v8+s17+$0x0] =	vst.idx.msk vm1, v63  }
0xdb: {  	[tilespmem:v62+s17+$0x0] =	vst.idx.msk vm2, v63  }
0xdc: {  	[tilespmem:v7+s17+$0x0] =	vst.idx.msk vm3, v63  }
0xdd: {  	v7 =	vld [tilespmem:s7+$0x800];
	_ =	sdelay $0x4  }
0xde: {  	v8 =	vshll.u32 v7, $0x1  }
0xdf: {  	v7 =	vand.u32 $0x7, v7;
	v8 =	vand.u32 $0xFFFFFFF0, v8  }
0xe0: {  	v7 =	vor.u32 v7, v8  }
0xe1: {  	v8 =	vperm.xlane v7, v3;
	_ =	sdelay $0x1  }
0xe2: {  	v7 =	vperm.xlane v7, v5;
	v8 =	vadd.s32 v4, v8;
	_ =	sdelay $0x1  }
0xe3: {  	v7 =	vadd.s32 v4, v7;
	_ =	sdelay $0x2  }
0xe4: {  	[tilespmem:s18], [sflag:$0x1] =	stream.indirect_vreg.gather [hbm4b:s1+s4], $0x80, v8, vm0, $0xb8;
	[tilespmem:$0x1A080] =	vst v63  }
0xe5: {  	_ = 	snop  }
0xe6: {  	[tilespmem:s23], [sflag:$0x1] =	stream.indirect_vreg.gather [hbm4b:s1+s4], $0x80, v7, vm0, $0xb8;
	[tilespmem:$0x1A080] =	vst v63  }
0xe7: {  	v7 =	vld [tilespmem:s7+$0x810];
	_ =	sdelay $0x4  }
0xe8: {  	v8 =	vshll.u32 v7, $0x1  }
0xe9: {  	v7 =	vand.u32 $0x7, v7;
	v8 =	vand.u32 $0xFFFFFFF0, v8  }
0xea: {  	v7 =	vor.u32 v7, v8  }
0xeb: {  	v8 =	vperm.xlane v7, v3;
	_ =	sdelay $0x1  }
0xec: {  	v7 =	vperm.xlane v7, v5;
	v8 =	vadd.s32 v4, v8;
	_ =	sdelay $0x1  }
0xed: {  	v7 =	vadd.s32 v4, v7;
	_ =	sdelay $0x1  }
0xee: {  	s5 =	simm.s32 $0x3000  }
0xef: {  	[tilespmem:s5], [sflag:$0x1] =	stream.indirect_vreg.gather [hbm4b:s1+s4], $0x80, v8, vm0, $0xb8;
	[tilespmem:$0x1A080] =	vst v63  }
0xf0: {  	s20 =	simm.s32 $0x3800  }
0xf1: {  	[tilespmem:s20], [sflag:$0x1] =	stream.indirect_vreg.gather [hbm4b:s1+s4], $0x80, v7, vm0, $0xb8;
	[tilespmem:$0x1A080] =	vst v63  }
0xf2: {  	v7 =	vld [tilespmem:s7+$0x820];
	_ =	sdelay $0x4  }
0xf3: {  	v8 =	vshll.u32 v7, $0x1  }
0xf4: {  	v7 =	vand.u32 $0x7, v7;
	v8 =	vand.u32 $0xFFFFFFF0, v8  }
0xf5: {  	v7 =	vor.u32 v7, v8  }
0xf6: {  	v8 =	vperm.xlane v7, v3;
	_ =	sdelay $0x1  }
0xf7: {  	v7 =	vperm.xlane v7, v5;
	v8 =	vadd.s32 v4, v8;
	_ =	sdelay $0x1  }
0xf8: {  	v7 =	vadd.s32 v4, v7;
	_ =	sdelay $0x1  }
0xf9: {  	s21 =	simm.s32 $0x4000  }
0xfa: {  	[tilespmem:s21], [sflag:$0x1] =	stream.indirect_vreg.gather [hbm4b:s1+s4], $0x80, v8, vm0, $0xb8;
	[tilespmem:$0x1A080] =	vst v63  }
0xfb: {  	s22 =	simm.s32 $0x4800  }
0xfc: {  	[tilespmem:s22], [sflag:$0x1] =	stream.indirect_vreg.gather [hbm4b:s1+s4], $0x80, v7, vm0, $0xb8;
	[tilespmem:$0x1A080] =	vst v63  }
0xfd: {  	v7 =	vld [tilespmem:s7+$0x830];
	_ =	sdelay $0x4  }
0xfe: {  	v8 =	vshll.u32 v7, $0x1  }
0xff: {  	v7 =	vand.u32 $0x7, v7;
	v8 =	vand.u32 $0xFFFFFFF0, v8  }
0x100: {  	v7 =	vor.u32 v7, v8  }
0x101: {  	v8 =	vperm.xlane v7, v3;
	_ =	sdelay $0x1  }
0x102: {  	v7 =	vperm.xlane v7, v5;
	v8 =	vadd.s32 v4, v8;
	_ =	sdelay $0x1  }
0x103: {  	v7 =	vadd.s32 v4, v7;
	_ =	sdelay $0x1  }
0x104: {  	s23 =	simm.s32 $0x5000  }
0x105: {  	[tilespmem:s23], [sflag:$0x1] =	stream.indirect_vreg.gather [hbm4b:s1+s4], $0x80, v8, vm0, $0xb8;
	[tilespmem:$0x1A080] =	vst v63  }
0x106: {  	s25 =	simm.s32 $0x5800  }
0x107: {  	[tilespmem:s25], [sflag:$0x1] =	stream.indirect_vreg.gather [hbm4b:s1+s4], $0x80, v7, vm0, $0xb8;
	[tilespmem:$0x1A080] =	vst v63  }
0x108: {  	v7 =	vld [tilespmem:s7+$0x840];
	_ =	sdelay $0x4  }
0x109: {  	v8 =	vshll.u32 v7, $0x1  }
0x10a: {  	v7 =	vand.u32 $0x7, v7;
	v8 =	vand.u32 $0xFFFFFFF0, v8  }
0x10b: {  	v7 =	vor.u32 v7, v8  }
0x10c: {  	v8 =	vperm.xlane v7, v3;
	_ =	sdelay $0x1  }
0x10d: {  	v7 =	vperm.xlane v7, v5;
	v8 =	vadd.s32 v4, v8;
	_ =	sdelay $0x1  }
0x10e: {  	v7 =	vadd.s32 v4, v7;
	_ =	sdelay $0x1  }
0x10f: {  	s26 =	simm.s32 $0x6000  }
0x110: {  	[tilespmem:s26], [sflag:$0x1] =	stream.indirect_vreg.gather [hbm4b:s1+s4], $0x80, v8, vm0, $0xb8;
	[tilespmem:$0x1A080] =	vst v63  }
0x111: {  	_ = 	snop  }
0x112: {  	[tilespmem:s28], [sflag:$0x1] =	stream.indirect_vreg.gather [hbm4b:s1+s4], $0x80, v7, vm0, $0xb8;
	[tilespmem:$0x1A080] =	vst v63  }
0x113: {  	v7 =	vld [tilespmem:s7+$0x850];
	_ =	sdelay $0x4  }
0x114: {  	v8 =	vshll.u32 v7, $0x1  }
0x115: {  	v7 =	vand.u32 $0x7, v7;
	v8 =	vand.u32 $0xFFFFFFF0, v8  }
0x116: {  	v7 =	vor.u32 v7, v8  }
0x117: {  	v8 =	vperm.xlane v7, v3;
	_ =	sdelay $0x1  }
0x118: {  	v7 =	vperm.xlane v7, v5;
	v8 =	vadd.s32 v4, v8;
	_ =	sdelay $0x1  }
0x119: {  	v7 =	vadd.s32 v4, v7;
	_ =	sdelay $0x2  }
0x11a: {  	[tilespmem:s29], [sflag:$0x1] =	stream.indirect_vreg.gather [hbm4b:s1+s4], $0x80, v8, vm0, $0xb8;
	[tilespmem:$0x1A080] =	vst v63  }
0x11b: {  	_ = 	snop  }
0x11c: {  	[tilespmem:s30], [sflag:$0x1] =	stream.indirect_vreg.gather [hbm4b:s1+s4], $0x80, v7, vm0, $0xb8;
	[tilespmem:$0x1A080] =	vst v63  }
0x11d: {  	v7 =	vld [tilespmem:s7+$0x860];
	_ =	sdelay $0x4  }
0x11e: {  	v8 =	vshll.u32 v7, $0x1  }
0x11f: {  	v7 =	vand.u32 $0x7, v7;
	v8 =	vand.u32 $0xFFFFFFF0, v8  }
0x120: {  	v7 =	vor.u32 v7, v8  }
0x121: {  	v8 =	vperm.xlane v7, v3;
	_ =	sdelay $0x1  }
0x122: {  	v7 =	vperm.xlane v7, v5;
	v8 =	vadd.s32 v4, v8;
	_ =	sdelay $0x1  }
0x123: {  	v7 =	vadd.s32 v4, v7;
	_ =	sdelay $0x2  }
0x124: {  	[tilespmem:s31], [sflag:$0x1] =	stream.indirect_vreg.gather [hbm4b:s1+s4], $0x80, v8, vm0, $0xb8;
	[tilespmem:$0x1A080] =	vst v63  }
0x125: {  	_ = 	snop  }
0x126: {  	[tilespmem:s0], [sflag:$0x1] =	stream.indirect_vreg.gather [hbm4b:s1+s4], $0x80, v7, vm0, $0xb8;
	[tilespmem:$0x1A080] =	vst v63  }
0x127: {  	v7 =	vld [tilespmem:s7+$0x870];
	_ =	sdelay $0x4  }
0x128: {  	v8 =	vshll.u32 v7, $0x1  }
0x129: {  	v7 =	vand.u32 $0x7, v7;
	v8 =	vand.u32 $0xFFFFFFF0, v8  }
0x12a: {  	v7 =	vor.u32 v7, v8  }
0x12b: {  	v8 =	vperm.xlane v7, v3;
	_ =	sdelay $0x1  }
0x12c: {  	v7 =	vperm.xlane v7, v5;
	v8 =	vadd.s32 v4, v8;
	_ =	sdelay $0x1  }
0x12d: {  	v7 =	vadd.s32 v4, v7;
	_ =	sdelay $0x2  }
0x12e: {  	[tilespmem:s2], [sflag:$0x1] =	stream.indirect_vreg.gather [hbm4b:s1+s4], $0x80, v8, vm0, $0xb8;
	[tilespmem:$0x1A080] =	vst v63  }
0x12f: {  	_ = 	snop  }
0x130: {  	[tilespmem:s3], [sflag:$0x1] =	stream.indirect_vreg.gather [hbm4b:s1+s4], $0x80, v7, vm0, $0xb8;
	[tilespmem:$0x1A080] =	vst v63  }
.LBB2_6:
0x131: {  	s5 =	sshll.u32 s19, $0x7;
	s26 =	simm.s32 $0x0  }
0x132: {  	s25 =	sand.u32 $0x1, s19;
	s20 =	sand.u32 $0x7800, s26;
	s19 =	sand.u32 $0x300, s26  }
0x133: {  	s20 =	sor.u32 s19, s20  }
0x134: {  	s19 =	sadd.s32 $0x12000, s20;
	[tilespmem:s20+$0x12000] =	vst v6  }
0x135: {  	[tilespmem:s19+$0x10] =	vst v6  }
0x136: {  	[tilespmem:s19+$0x20] =	vst v6  }
0x137: {  	[tilespmem:s19+$0x30] =	vst v6  }
0x138: {  	[tilespmem:s19+$0x40] =	vst v6  }
0x139: {  	[tilespmem:s19+$0x50] =	vst v6  }
0x13a: {  	[tilespmem:s19+$0x60] =	vst v6  }
0x13b: {  	[tilespmem:s19+$0x70] =	vst v6  }
0x13c: {  	[tilespmem:s19+$0x400] =	vst v6  }
0x13d: {  	[tilespmem:s19+$0x410] =	vst v6  }
0x13e: {  	[tilespmem:s19+$0x420] =	vst v6  }
0x13f: {  	[tilespmem:s19+$0x430] =	vst v6  }
0x140: {  	[tilespmem:s19+$0x440] =	vst v6  }
0x141: {  	[tilespmem:s19+$0x450] =	vst v6  }
0x142: {  	[tilespmem:s19+$0x460] =	vst v6  }
0x143: {  	[tilespmem:s19+$0x470] =	vst v6  }
0x144: {  	[tilespmem:s19+$0x80] =	vst v6  }
0x145: {  	[tilespmem:s19+$0x90] =	vst v6  }
0x146: {  	[tilespmem:s19+$0xA0] =	vst v6  }
0x147: {  	[tilespmem:s19+$0xB0] =	vst v6  }
0x148: {  	[tilespmem:s19+$0xC0] =	vst v6  }
0x149: {  	[tilespmem:s19+$0xD0] =	vst v6  }
0x14a: {  	[tilespmem:s19+$0xE0] =	vst v6  }
0x14b: {  	[tilespmem:s19+$0xF0] =	vst v6  }
0x14c: {  	[tilespmem:s19+$0x480] =	vst v6  }
0x14d: {  	[tilespmem:s19+$0x490] =	vst v6  }
0x14e: {  	s5 =	ssub.s32 s9, s5;
	[tilespmem:s19+$0x4A0] =	vst v6  }
0x14f: {  	p3 =	seq.s32 s25, s24;
	p1 =	sgt.s32 s5, $0x0;
	[tilespmem:s19+$0x4B0] =	vst v6  }
0x150: {  	s21 =	simm.s32 $0x100;
	s22 =	simm.s32 $0x200;
	p1 =	por !p3, !p1;
	[tilespmem:s19+$0x4C0] =	vst v6  }
0x151: {  	s25 =	smov.u32 s24;
	s20 =	simm.s32 $0x0;
	p1 =	por !p1, !p1;
	[tilespmem:s19+$0x4D0] =	vst v6  }
.LBB2_7:
0x152: {  	s23 =	sand.u32 $0x7800, s22;
	s24 =	sand.u32 $0x300, s21;
	s20 =	sadd.s32 $0x2, s20;
	[tilespmem:s19+$0x4E0] =	vst v6  }
0x153: {  	s23 =	sor.u32 s24, s23;
	p3 =	slt.u32 s20, $0x7E;
	[tilespmem:s19+$0x4F0] =	vst v6  }
0x154: {  	s19 =	sadd.s32 $0x12000, s23;
	[tilespmem:s23+$0x12000] =	vst v6  }
0x155: {  	[tilespmem:s19+$0x10] =	vst v6  }
0x156: {  	[tilespmem:s19+$0x20] =	vst v6  }
0x157: {  	[tilespmem:s19+$0x30] =	vst v6  }
0x158: {  	[tilespmem:s19+$0x40] =	vst v6  }
0x159: {  	[tilespmem:s19+$0x50] =	vst v6  }
0x15a: {  	[tilespmem:s19+$0x60] =	vst v6  }
0x15b: {  	[tilespmem:s19+$0x70] =	vst v6  }
0x15c: {  	[tilespmem:s19+$0x400] =	vst v6  }
0x15d: {  	[tilespmem:s19+$0x410] =	vst v6  }
0x15e: {  	[tilespmem:s19+$0x420] =	vst v6  }
0x15f: {  	[tilespmem:s19+$0x430] =	vst v6  }
0x160: {  	[tilespmem:s19+$0x440] =	vst v6  }
0x161: {  	[tilespmem:s19+$0x450] =	vst v6  }
0x162: {  	[tilespmem:s19+$0x460] =	vst v6  }
0x163: {  	[tilespmem:s19+$0x470] =	vst v6  }
0x164: {  	[tilespmem:s19+$0x80] =	vst v6  }
0x165: {  	[tilespmem:s19+$0x90] =	vst v6  }
0x166: {  	[tilespmem:s19+$0xA0] =	vst v6  }
0x167: {  	[tilespmem:s19+$0xB0] =	vst v6  }
0x168: {  	[tilespmem:s19+$0xC0] =	vst v6  }
0x169: {  	[tilespmem:s19+$0xD0] =	vst v6  }
0x16a: {  	[tilespmem:s19+$0xE0] =	vst v6  }
0x16b: {  	[tilespmem:s19+$0xF0] =	vst v6  }
0x16c: {  	[tilespmem:s19+$0x480] =	vst v6  }
.Ltmp5:
0x16d: {  	[tilespmem:s19+$0x490] =	vst v6;
	(pc) =	sbr.rel @p3 .LBB2_7-.Ltmp5, $4  }
0x16e: {  	[tilespmem:s19+$0x4A0] =	vst v6  }
0x16f: {  	[tilespmem:s19+$0x4B0] =	vst v6  }
0x170: {  	[tilespmem:s19+$0x4C0] =	vst v6  }
0x171: {  	s21 =	sadd.s32 $0x100, s21;
	s22 =	sadd.s32 $0x200, s22;
	[tilespmem:s19+$0x4D0] =	vst v6  }
.Ltmp6:
0x172: {  	(pc) =	sbr.rel @p2 .LBB2_9-.Ltmp6, $3  }
0x173: {  	_ =	sdelay $0x1  }
0x174: {  	[tilespmem:s19+$0x4E0] =	vst v6  }
0x175: {  	[tilespmem:s19+$0x4F0] =	vst v6;
	s19 =	simm.s32 $0x0;
	s23 =	simm.s32 $0x2800;
	s24 =	simm.s32 $0x3000  }
.LBB2_17:
0x176: {  	v7 =	vmov @!p0 s9  }
0x177: {  	s9 =	simm.s32 @!p0 $0x0;
	s19 =	simm.s32 @!p0 $0x1A000;
	s20 =	rddreg [dreg:$0x6];
	[tilespmem:$0x1A000] =	vst @!p0 v7  }
0x178: {  	[hbm4b:s20+s9] =	stream.linear.scatter @!p0 [tilespmem:s19], [sflag:$0x4], $0x80, $0x38;
	[tilespmem:$0x1A080] =	vst v63  }
0x179: {  	s9 =	simm.s32 @!p0 $0x4  }
0x17a: {  	_ =	swait.ge @!p0 [sflag:s9], $0x80  }
.Ltmp7:
0x17b: {  	p2 =	slt.s32 s6, $0x1;
	[sflag:s9] =	ssyncset.done @!p0 $0x0;
	(pc) =	sbr.rel @!p1 .LBB2_26-.Ltmp7, $4  }
0x17c: {  	[sflag:s9] =	ssyncadd.s32 @!p0 $0xFFFFFF80;
	s9 =	simm.s32 @!p2 $0x3  }
0x17d: {  	_ =	swait.ge @!p2 [sflag:s9], $0x8000  }
0x17e: {  	[sflag:s9] =	ssyncset.done @!p2 $0x0  }
0x17f: {  	s24 =	smov.u32 s25;
	[sflag:s9] =	ssyncadd.s32 @!p2 $0xFFFF8000  }
0x180: {  	s9 =	sshll.u32 s6, $0x8  }
0x181: {  	s9 =	sor.u32 s7, s9  }
0x182: {  	v7 =	vld [tilespmem:s9+$0x800];
	_ =	sdelay $0x4  }
0x183: {  	v8 =	vshll.u32 v7, $0x1  }
0x184: {  	v7 =	vand.u32 $0x7, v7;
	v8 =	vand.u32 $0xFFFFFFF0, v8  }
0x185: {  	v7 =	vor.u32 v7, v8  }
0x186: {  	v8 =	vperm.xlane v7, v3;
	_ =	sdelay $0x1  }
0x187: {  	v7 =	vperm.xlane v7, v5;
	v8 =	vadd.s32 v4, v8;
	_ =	sdelay $0x1  }
0x188: {  	v7 =	vadd.s32 v4, v7;
	_ =	sdelay $0x2  }
0x189: {  	[tilespmem:s18], [sflag:$0x1] =	stream.indirect_vreg.gather [hbm4b:s1+s4], $0x80, v8, vm0, $0xb8;
	[tilespmem:$0x1A080] =	vst v63  }
0x18a: {  	_ = 	snop  }
0x18b: {  	[tilespmem:s23], [sflag:$0x1] =	stream.indirect_vreg.gather [hbm4b:s1+s4], $0x80, v7, vm0, $0xb8;
	[tilespmem:$0x1A080] =	vst v63  }
0x18c: {  	v7 =	vld [tilespmem:s9+$0x810];
	_ =	sdelay $0x4  }
0x18d: {  	v8 =	vshll.u32 v7, $0x1  }
0x18e: {  	v7 =	vand.u32 $0x7, v7;
	v8 =	vand.u32 $0xFFFFFFF0, v8  }
0x18f: {  	v7 =	vor.u32 v7, v8  }
0x190: {  	v8 =	vperm.xlane v7, v3;
	_ =	sdelay $0x1  }
0x191: {  	v7 =	vperm.xlane v7, v5;
	v8 =	vadd.s32 v4, v8;
	_ =	sdelay $0x1  }
0x192: {  	v7 =	vadd.s32 v4, v7;
	_ =	sdelay $0x1  }
0x193: {  	s19 =	simm.s32 $0x3000  }
0x194: {  	[tilespmem:s19], [sflag:$0x1] =	stream.indirect_vreg.gather [hbm4b:s1+s4], $0x80, v8, vm0, $0xb8;
	[tilespmem:$0x1A080] =	vst v63  }
0x195: {  	s26 =	simm.s32 $0x3800  }
0x196: {  	[tilespmem:s26], [sflag:$0x1] =	stream.indirect_vreg.gather [hbm4b:s1+s4], $0x80, v7, vm0, $0xb8;
	[tilespmem:$0x1A080] =	vst v63  }
0x197: {  	v7 =	vld [tilespmem:s9+$0x820];
	_ =	sdelay $0x4  }
0x198: {  	v8 =	vshll.u32 v7, $0x1  }
0x199: {  	v7 =	vand.u32 $0x7, v7;
	v8 =	vand.u32 $0xFFFFFFF0, v8  }
0x19a: {  	v7 =	vor.u32 v7, v8  }
0x19b: {  	v8 =	vperm.xlane v7, v3;
	_ =	sdelay $0x1  }
0x19c: {  	v7 =	vperm.xlane v7, v5;
	v8 =	vadd.s32 v4, v8;
	_ =	sdelay $0x1  }
0x19d: {  	v7 =	vadd.s32 v4, v7;
	_ =	sdelay $0x1  }
0x19e: {  	s20 =	simm.s32 $0x4000  }
0x19f: {  	[tilespmem:s20], [sflag:$0x1] =	stream.indirect_vreg.gather [hbm4b:s1+s4], $0x80, v8, vm0, $0xb8;
	[tilespmem:$0x1A080] =	vst v63  }
0x1a0: {  	s21 =	simm.s32 $0x4800  }
0x1a1: {  	[tilespmem:s21], [sflag:$0x1] =	stream.indirect_vreg.gather [hbm4b:s1+s4], $0x80, v7, vm0, $0xb8;
	[tilespmem:$0x1A080] =	vst v63  }
0x1a2: {  	v7 =	vld [tilespmem:s9+$0x830];
	_ =	sdelay $0x4  }
0x1a3: {  	v8 =	vshll.u32 v7, $0x1  }
0x1a4: {  	v7 =	vand.u32 $0x7, v7;
	v8 =	vand.u32 $0xFFFFFFF0, v8  }
0x1a5: {  	v7 =	vor.u32 v7, v8  }
0x1a6: {  	v8 =	vperm.xlane v7, v3;
	_ =	sdelay $0x1  }
0x1a7: {  	v7 =	vperm.xlane v7, v5;
	v8 =	vadd.s32 v4, v8;
	_ =	sdelay $0x1  }
0x1a8: {  	v7 =	vadd.s32 v4, v7;
	_ =	sdelay $0x1  }
0x1a9: {  	s22 =	simm.s32 $0x5000  }
0x1aa: {  	[tilespmem:s22], [sflag:$0x1] =	stream.indirect_vreg.gather [hbm4b:s1+s4], $0x80, v8, vm0, $0xb8;
	[tilespmem:$0x1A080] =	vst v63  }
0x1ab: {  	s25 =	simm.s32 $0x5800  }
0x1ac: {  	[tilespmem:s25], [sflag:$0x1] =	stream.indirect_vreg.gather [hbm4b:s1+s4], $0x80, v7, vm0, $0xb8;
	[tilespmem:$0x1A080] =	vst v63  }
0x1ad: {  	v7 =	vld [tilespmem:s9+$0x840];
	_ =	sdelay $0x4  }
0x1ae: {  	v8 =	vshll.u32 v7, $0x1  }
0x1af: {  	v7 =	vand.u32 $0x7, v7;
	v8 =	vand.u32 $0xFFFFFFF0, v8  }
0x1b0: {  	v7 =	vor.u32 v7, v8  }
0x1b1: {  	v8 =	vperm.xlane v7, v3;
	_ =	sdelay $0x1  }
0x1b2: {  	v7 =	vperm.xlane v7, v5;
	v8 =	vadd.s32 v4, v8;
	_ =	sdelay $0x1  }
0x1b3: {  	v7 =	vadd.s32 v4, v7;
	_ =	sdelay $0x1  }
0x1b4: {  	s26 =	simm.s32 $0x6000  }
0x1b5: {  	[tilespmem:s26], [sflag:$0x1] =	stream.indirect_vreg.gather [hbm4b:s1+s4], $0x80, v8, vm0, $0xb8;
	[tilespmem:$0x1A080] =	vst v63  }
0x1b6: {  	_ = 	snop  }
0x1b7: {  	[tilespmem:s28], [sflag:$0x1] =	stream.indirect_vreg.gather [hbm4b:s1+s4], $0x80, v7, vm0, $0xb8;
	[tilespmem:$0x1A080] =	vst v63  }
0x1b8: {  	v7 =	vld [tilespmem:s9+$0x850];
	_ =	sdelay $0x4  }
0x1b9: {  	v8 =	vshll.u32 v7, $0x1  }
0x1ba: {  	v7 =	vand.u32 $0x7, v7;
	v8 =	vand.u32 $0xFFFFFFF0, v8  }
0x1bb: {  	v7 =	vor.u32 v7, v8  }
0x1bc: {  	v8 =	vperm.xlane v7, v3;
	_ =	sdelay $0x1  }
0x1bd: {  	v7 =	vperm.xlane v7, v5;
	v8 =	vadd.s32 v4, v8;
	_ =	sdelay $0x1  }
0x1be: {  	v7 =	vadd.s32 v4, v7;
	_ =	sdelay $0x2  }
0x1bf: {  	[tilespmem:s29], [sflag:$0x1] =	stream.indirect_vreg.gather [hbm4b:s1+s4], $0x80, v8, vm0, $0xb8;
	[tilespmem:$0x1A080] =	vst v63  }
0x1c0: {  	_ = 	snop  }
0x1c1: {  	[tilespmem:s30], [sflag:$0x1] =	stream.indirect_vreg.gather [hbm4b:s1+s4], $0x80, v7, vm0, $0xb8;
	[tilespmem:$0x1A080] =	vst v63  }
0x1c2: {  	v7 =	vld [tilespmem:s9+$0x860];
	_ =	sdelay $0x4  }
0x1c3: {  	v8 =	vshll.u32 v7, $0x1  }
0x1c4: {  	v7 =	vand.u32 $0x7, v7;
	v8 =	vand.u32 $0xFFFFFFF0, v8  }
0x1c5: {  	v7 =	vor.u32 v7, v8  }
0x1c6: {  	v8 =	vperm.xlane v7, v3;
	_ =	sdelay $0x1  }
0x1c7: {  	v7 =	vperm.xlane v7, v5;
	v8 =	vadd.s32 v4, v8;
	_ =	sdelay $0x1  }
0x1c8: {  	v7 =	vadd.s32 v4, v7;
	_ =	sdelay $0x2  }
0x1c9: {  	[tilespmem:s31], [sflag:$0x1] =	stream.indirect_vreg.gather [hbm4b:s1+s4], $0x80, v8, vm0, $0xb8;
	[tilespmem:$0x1A080] =	vst v63  }
0x1ca: {  	_ = 	snop  }
0x1cb: {  	[tilespmem:s0], [sflag:$0x1] =	stream.indirect_vreg.gather [hbm4b:s1+s4], $0x80, v7, vm0, $0xb8;
	[tilespmem:$0x1A080] =	vst v63  }
0x1cc: {  	v7 =	vld [tilespmem:s9+$0x870];
	_ =	sdelay $0x4  }
0x1cd: {  	v8 =	vshll.u32 v7, $0x1  }
0x1ce: {  	v7 =	vand.u32 $0x7, v7;
	v8 =	vand.u32 $0xFFFFFFF0, v8  }
0x1cf: {  	v7 =	vor.u32 v7, v8  }
0x1d0: {  	v8 =	vperm.xlane v7, v3;
	_ =	sdelay $0x1  }
0x1d1: {  	v7 =	vperm.xlane v7, v5;
	v8 =	vadd.s32 v4, v8;
	_ =	sdelay $0x1  }
0x1d2: {  	v7 =	vadd.s32 v4, v7;
	_ =	sdelay $0x1  }
0x1d3: {  	p2 =	sgt.u32 s5, $0x7F  }
0x1d4: {  	[tilespmem:s2], [sflag:$0x1] =	stream.indirect_vreg.gather [hbm4b:s1+s4], $0x80, v8, vm0, $0xb8;
	[tilespmem:$0x1A080] =	vst v63  }
.Ltmp8:
0x1d5: {  	_ = 	snop;
	(pc) =	sbr.rel @p2 .LBB2_25-.Ltmp8, $4  }
0x1d6: {  	[tilespmem:s3], [sflag:$0x1] =	stream.indirect_vreg.gather [hbm4b:s1+s4], $0x80, v7, vm0, $0xb8;
	[tilespmem:$0x1A080] =	vst v63  }
0x1d7: {  	_ =	swait.ge [sflag:s16], $0x8000  }
0x1d8: {  	[sflag:s16] =	ssyncset.done $0x0  }
0x1d9: {  	[sflag:s16] =	ssyncadd.s32 $0xFFFF8000  }
0x1da: {  	s21 =	ssub.s32 $0x80, s5  }
0x1db: {  	p3 =	sne.s32 s21, $0x1  }
.Ltmp9:
0x1dc: {  	_ = 	snop;
	(pc) =	sbr.rel @!p3 .LBB2_20-.Ltmp9, $3  }
0x1dd: {  	_ =	sdelay $0x1  }
0x1de: {  	s19 =	sshll.u32 s5, $0x8;
	s20 =	sshll.u32 s5, $0x7;
	p2 =	por $0x0, $0x0  }
0x1df: {  	s22 =	sand.u32 $0x7FFFF800, s19;
	s23 =	sand.u32 $0x380, s20;
	s21 =	sadd.s32 $0xFFFFFFFF, s21  }
0x1e0: {  	s5 =	sor.u32 s23, s22  }
0x1e1: {  	[tilespmem:s5+$0x2470] =	vst v6  }
0x1e2: {  	[tilespmem:s5+$0x2000] =	vst v6  }
0x1e3: {  	[tilespmem:s5+$0x2010] =	vst v6  }
0x1e4: {  	[tilespmem:s5+$0x2020] =	vst v6  }
0x1e5: {  	[tilespmem:s5+$0x2030] =	vst v6  }
0x1e6: {  	[tilespmem:s5+$0x2040] =	vst v6  }
0x1e7: {  	[tilespmem:s5+$0x2050] =	vst v6  }
0x1e8: {  	[tilespmem:s5+$0x2060] =	vst v6  }
0x1e9: {  	[tilespmem:s5+$0x2070] =	vst v6  }
0x1ea: {  	p3 =	sne.s32 s21, $0x1;
	[tilespmem:s5+$0x2400] =	vst v6  }
.Ltmp10:
0x1eb: {  	[tilespmem:s5+$0x2410] =	vst v6;
	(pc) =	sbr.rel @!p3 .LBB2_24-.Ltmp10, $4  }
0x1ec: {  	[tilespmem:s5+$0x2420] =	vst v6  }
0x1ed: {  	[tilespmem:s5+$0x2430] =	vst v6  }
0x1ee: {  	s19 =	sadd.s32 $0x100, s19;
	s20 =	sadd.s32 $0x80, s20;
	s21 =	sadd.s32 $0xFFFFFFFF, s21;
	[tilespmem:s5+$0x2440] =	vst v6  }
0x1ef: {  	p2 =	por $0x1, $0x1;
	s22 =	sand.u32 $0x7FFFF800, s19;
	s23 =	sand.u32 $0x380, s20;
	[tilespmem:s5+$0x2450] =	vst v6  }
.LBB2_23:
0x1f0: {  	p3 =	sne.s32 s21, $0x1;
	[tilespmem:s5+$0x2460] =	vst v6;
	s5 =	sor.u32 s23, s22  }
0x1f1: {  	[tilespmem:s5+$0x2470] =	vst v6  }
0x1f2: {  	[tilespmem:s5+$0x2000] =	vst v6  }
0x1f3: {  	[tilespmem:s5+$0x2010] =	vst v6  }
0x1f4: {  	[tilespmem:s5+$0x2020] =	vst v6  }
0x1f5: {  	[tilespmem:s5+$0x2030] =	vst v6  }
0x1f6: {  	[tilespmem:s5+$0x2040] =	vst v6  }
0x1f7: {  	[tilespmem:s5+$0x2050] =	vst v6  }
0x1f8: {  	[tilespmem:s5+$0x2060] =	vst v6  }
0x1f9: {  	[tilespmem:s5+$0x2070] =	vst v6  }
0x1fa: {  	[tilespmem:s5+$0x2400] =	vst v6  }
.Ltmp11:
0x1fb: {  	[tilespmem:s5+$0x2410] =	vst v6;
	(pc) =	sbr.rel @p3 .LBB2_23-.Ltmp11, $4  }
0x1fc: {  	[tilespmem:s5+$0x2420] =	vst v6  }
0x1fd: {  	[tilespmem:s5+$0x2430] =	vst v6  }
0x1fe: {  	s20 =	sadd.s32 $0x80, s20;
	s19 =	sadd.s32 $0x100, s19;
	[tilespmem:s5+$0x2440] =	vst v6  }
0x1ff: {  	s21 =	sadd.s32 $0xFFFFFFFF, s21;
	s22 =	sand.u32 $0x7FFFF800, s19;
	s23 =	sand.u32 $0x380, s20;
	[tilespmem:s5+$0x2450] =	vst v6  }
.LBB2_24:
0x200: {  	s19 =	sor.u32 s23, s22;
	[tilespmem:s5+$0x2460] =	vst @p2 v6  }
0x201: {  	[tilespmem:s19+$0x2470] =	vst v6  }
0x202: {  	[tilespmem:s19+$0x2000] =	vst v6  }
0x203: {  	[tilespmem:s19+$0x2010] =	vst v6  }
0x204: {  	[tilespmem:s19+$0x2020] =	vst v6  }
0x205: {  	[tilespmem:s19+$0x2030] =	vst v6  }
0x206: {  	[tilespmem:s19+$0x2040] =	vst v6  }
0x207: {  	[tilespmem:s19+$0x2050] =	vst v6  }
0x208: {  	[tilespmem:s19+$0x2060] =	vst v6  }
0x209: {  	[tilespmem:s19+$0x2070] =	vst v6  }
0x20a: {  	[tilespmem:s19+$0x2400] =	vst v6  }
0x20b: {  	[tilespmem:s19+$0x2410] =	vst v6  }
0x20c: {  	[tilespmem:s19+$0x2420] =	vst v6  }
0x20d: {  	[tilespmem:s19+$0x2430] =	vst v6  }
0x20e: {  	[tilespmem:s19+$0x2440] =	vst v6  }
0x20f: {  	[tilespmem:s19+$0x2450] =	vst v6  }
0x210: {  	s23 =	simm.s32 $0x2800;
	[tilespmem:s19+$0x2460] =	vst v6  }
.LBB2_25:
0x211: {  	s5 =	rddreg [dreg:$0x5]  }
0x212: {  	s5 =	sadd.s32 s5, s9  }
0x213: {  	s26 =	rddreg [dreg:$0x2];
	s5 =	sshll.u32 s5, $0x5  }
0x214: {  	s5 =	sadd.s32 s26, s5  }
0x215: {  	[hbm4b:s5+s4] =	stream.linear.scatter [tilespmem:s18], [sflag:$0x3], $0x8000, $0x38;
	[tilespmem:$0x1A080] =	vst v63  }
0x216: {  	_ =	swait.ge [sflag:s14], $0x8000  }
0x217: {  	[sflag:s14] =	ssyncset.done $0x0  }
0x218: {  	[sflag:s14] =	ssyncadd.s32 $0xFFFF8000  }
.LBB2_26:
0x219: {  	s5 =	simm.s32 $0x1  }
0x21a: {  	s5 =	simm.s32 @!p1 $0x0  }
0x21b: {  	s5 =	sadd.s32 s5, s6  }
0x21c: {  	p1 =	sgt.s32 s5, $0x17  }
.Ltmp12:
0x21d: {  	_ = 	snop;
	(pc) =	sbr.rel @p1 .LBB2_32-.Ltmp12, $1  }
0x21e: {  	_ =	sdelay $0x3  }
0x21f: {  	s6 =	sshll.u32 s5, $0xD;
	s5 =	ssub.s32 $0x18, s5  }
0x220: {  	p1 =	sne.s32 s5, $0x1  }
.Ltmp13:
0x221: {  	_ = 	snop;
	(pc) =	sbr.rel @!p1 .LBB2_29-.Ltmp13, $4  }
0x222: {  	_ = 	snop  }
0x223: {  	s9 =	rddreg [dreg:$0x8]  }
0x224: {  	s6 =	sadd.s32 s6, s9;
	s9 =	sadd.s32 $0xFFFFFFFF, s5  }
0x225: {  	[hbm4b:s6+s4] =	stream.linear.scatter [tilespmem:s10], [sflag:$0x2], $0x8000, $0x38;
	[tilespmem:$0x1A080] =	vst v63  }
.LBB2_28:
0x226: {  	p2 =	sne.s32 s9, $0x1  }
.Ltmp14:
0x227: {  	_ = 	snop;
	(pc) =	sbr.rel @p2 .LBB2_28-.Ltmp14, $3  }
0x228: {  	_ = 	snop  }
0x229: {  	s9 =	sadd.s32 $0xFFFFFFFF, s9;
	s6 =	sadd.s32 $0x2000, s6;
	_ =	sdelay $0x1  }
0x22a: {  	[hbm4b:s6+s4] =	stream.linear.scatter [tilespmem:s10], [sflag:$0x2], $0x8000, $0x38;
	[tilespmem:$0x1A080] =	vst v63  }
.LBB2_29:
.Ltmp15:
0x22b: {  	(pc) =	sbr.rel @!p1 .LBB2_31-.Ltmp15, $3  }
0x22c: {  	_ =	sdelay $0x1  }
0x22d: {  	_ =	swait.ge [sflag:s15], $0x8000  }
0x22e: {  	s5 =	sadd.s32 $0xFFFFFFFF, s5;
	[sflag:s15] =	ssyncset.done $0x0  }
.LBB2_30:
0x22f: {  	p1 =	sne.s32 s5, $0x1;
	s5 =	sadd.s32 $0xFFFFFFFF, s5;
	[sflag:s15] =	ssyncadd.s32 $0xFFFF8000  }
.Ltmp16:
0x230: {  	(pc) =	sbr.rel @p1 .LBB2_30-.Ltmp16, $3  }
0x231: {  	_ =	sdelay $0x1  }
0x232: {  	_ =	swait.ge [sflag:s15], $0x8000  }
0x233: {  	[sflag:s15] =	ssyncset.done $0x0  }
.Ltmp17:
0x234: {  	_ = 	snop;
	(pc) =	sbr.rel .LBB2_31-.Ltmp17, $1  }
0x235: {  	_ =	sdelay $0x3  }
.LBB2_15:
0x236: {  	_ =	swait.ge [sflag:s15], $0x8000  }
0x237: {  	s19 =	sshll.u32 s19, $0xD;
	[sflag:s15] =	ssyncset.done $0x0  }
0x238: {  	s19 =	sadd.s32 s11, s19;
	[sflag:s15] =	ssyncadd.s32 $0xFFFF8000  }
0x239: {  	[hbm4b:s19+s4] =	stream.linear.scatter [tilespmem:s8], [sflag:$0x3], $0x8000, $0x38;
	[tilespmem:$0x1A080] =	vst v63  }
.LBB2_16:
0x23a: {  	p2 =	sne.s32 s20, s6  }
.Ltmp18:
0x23b: {  	_ = 	snop;
	(pc) =	sbr.rel @!p2 .LBB2_17-.Ltmp18, $2  }
0x23c: {  	_ =	sdelay $0x2  }
0x23d: {  	s19 =	smov.u32 s20  }
.LBB2_9:
0x23e: {  	s21 =	sand.u32 $0x1, s19  }
0x23f: {  	p2 =	seq.s32 s21, $0x1  }
.Ltmp19:
0x240: {  	_ = 	snop;
	(pc) =	sbr.rel @p2 .LBB2_13-.Ltmp19, $1  }
0x241: {  	_ =	sdelay $0x3  }
0x242: {  	s20 =	sor.u32 $0x1, s19  }
0x243: {  	p3 =	sge.s32 s20, s6  }
.Ltmp20:
0x244: {  	p2 =	seq.s32 s19, $0x0;
	(pc) =	sbr.rel @p3 .LBB2_12-.Ltmp20, $4  }
0x245: {  	s22 =	simm.s32 @!p2 $0x3  }
0x246: {  	_ =	swait.ge @!p2 [sflag:s22], $0x8000  }
0x247: {  	[sflag:s22] =	ssyncset.done @!p2 $0x0  }
0x248: {  	[sflag:s22] =	ssyncadd.s32 @!p2 $0xFFFF8000  }
0x249: {  	_ =	sdelay $0x1  }
0x24a: {  	s22 =	sshll.u32 s20, $0xA  }
0x24b: {  	s22 =	sshra.s32 s22, $0x2  }
0x24c: {  	v7 =	vld.idx.msk [tilespmem:v2+s22+$0x0 ss:$0x1], $0xffff;
	_ =	sdelay $0x4  }
0x24d: {  	v8 =	vshll.u32 v7, $0x1  }
0x24e: {  	v7 =	vand.u32 $0x7, v7;
	v8 =	vand.u32 $0xFFFFFFF0, v8  }
0x24f: {  	v7 =	vor.u32 v7, v8  }
0x250: {  	v8 =	vperm.xlane v7, v3;
	_ =	sdelay $0x1  }
0x251: {  	v7 =	vperm.xlane v7, v5;
	v8 =	vadd.s32 v4, v8;
	_ =	sdelay $0x1  }
0x252: {  	v7 =	vadd.s32 v4, v7;
	_ =	sdelay $0x2  }
0x253: {  	[tilespmem:s8], [sflag:$0x2] =	stream.indirect_vreg.gather [hbm4b:s1+s4], $0x80, v8, vm0, $0xb8;
	[tilespmem:$0x1A080] =	vst v63  }
0x254: {  	s26 =	simm.s32 $0xA800  }
0x255: {  	[tilespmem:s26], [sflag:$0x2] =	stream.indirect_vreg.gather [hbm4b:s1+s4], $0x80, v7, vm0, $0xb8;
	[tilespmem:$0x1A080] =	vst v63  }
0x256: {  	v7 =	vld.idx.msk [tilespmem:v2+s22+$0x10 ss:$0x1], $0xffff;
	_ =	sdelay $0x4  }
0x257: {  	v8 =	vshll.u32 v7, $0x1  }
0x258: {  	v7 =	vand.u32 $0x7, v7;
	v8 =	vand.u32 $0xFFFFFFF0, v8  }
0x259: {  	v7 =	vor.u32 v7, v8  }
0x25a: {  	v8 =	vperm.xlane v7, v3;
	_ =	sdelay $0x1  }
0x25b: {  	v7 =	vperm.xlane v7, v5;
	v8 =	vadd.s32 v4, v8;
	_ =	sdelay $0x1  }
0x25c: {  	v7 =	vadd.s32 v4, v7;
	_ =	sdelay $0x1  }
0x25d: {  	s26 =	simm.s32 $0xB000  }
0x25e: {  	[tilespmem:s26], [sflag:$0x2] =	stream.indirect_vreg.gather [hbm4b:s1+s4], $0x80, v8, vm0, $0xb8;
	[tilespmem:$0x1A080] =	vst v63  }
0x25f: {  	s26 =	simm.s32 $0xB800  }
0x260: {  	[tilespmem:s26], [sflag:$0x2] =	stream.indirect_vreg.gather [hbm4b:s1+s4], $0x80, v7, vm0, $0xb8;
	[tilespmem:$0x1A080] =	vst v63  }
0x261: {  	v7 =	vld.idx.msk [tilespmem:v2+s22+$0x20 ss:$0x1], $0xffff;
	_ =	sdelay $0x4  }
0x262: {  	v8 =	vshll.u32 v7, $0x1  }
0x263: {  	v7 =	vand.u32 $0x7, v7;
	v8 =	vand.u32 $0xFFFFFFF0, v8  }
0x264: {  	v7 =	vor.u32 v7, v8  }
0x265: {  	v8 =	vperm.xlane v7, v3;
	_ =	sdelay $0x1  }
0x266: {  	v7 =	vperm.xlane v7, v5;
	v8 =	vadd.s32 v4, v8;
	_ =	sdelay $0x1  }
0x267: {  	v7 =	vadd.s32 v4, v7;
	_ =	sdelay $0x1  }
0x268: {  	s26 =	simm.s32 $0xC000  }
0x269: {  	[tilespmem:s26], [sflag:$0x2] =	stream.indirect_vreg.gather [hbm4b:s1+s4], $0x80, v8, vm0, $0xb8;
	[tilespmem:$0x1A080] =	vst v63  }
0x26a: {  	s26 =	simm.s32 $0xC800  }
0x26b: {  	[tilespmem:s26], [sflag:$0x2] =	stream.indirect_vreg.gather [hbm4b:s1+s4], $0x80, v7, vm0, $0xb8;
	[tilespmem:$0x1A080] =	vst v63  }
0x26c: {  	v7 =	vld.idx.msk [tilespmem:v2+s22+$0x30 ss:$0x1], $0xffff;
	_ =	sdelay $0x4  }
0x26d: {  	v8 =	vshll.u32 v7, $0x1  }
0x26e: {  	v7 =	vand.u32 $0x7, v7;
	v8 =	vand.u32 $0xFFFFFFF0, v8  }
0x26f: {  	v7 =	vor.u32 v7, v8  }
0x270: {  	v8 =	vperm.xlane v7, v3;
	_ =	sdelay $0x1  }
0x271: {  	v7 =	vperm.xlane v7, v5;
	v8 =	vadd.s32 v4, v8;
	_ =	sdelay $0x1  }
0x272: {  	v7 =	vadd.s32 v4, v7;
	_ =	sdelay $0x1  }
0x273: {  	s26 =	simm.s32 $0xD000  }
0x274: {  	[tilespmem:s26], [sflag:$0x2] =	stream.indirect_vreg.gather [hbm4b:s1+s4], $0x80, v8, vm0, $0xb8;
	[tilespmem:$0x1A080] =	vst v63  }
0x275: {  	s26 =	simm.s32 $0xD800  }
0x276: {  	[tilespmem:s26], [sflag:$0x2] =	stream.indirect_vreg.gather [hbm4b:s1+s4], $0x80, v7, vm0, $0xb8;
	[tilespmem:$0x1A080] =	vst v63  }
0x277: {  	v7 =	vld.idx.msk [tilespmem:v2+s22+$0x40 ss:$0x1], $0xffff;
	_ =	sdelay $0x4  }
0x278: {  	v8 =	vshll.u32 v7, $0x1  }
0x279: {  	v7 =	vand.u32 $0x7, v7;
	v8 =	vand.u32 $0xFFFFFFF0, v8  }
0x27a: {  	v7 =	vor.u32 v7, v8  }
0x27b: {  	v8 =	vperm.xlane v7, v3;
	_ =	sdelay $0x1  }
0x27c: {  	v7 =	vperm.xlane v7, v5;
	v8 =	vadd.s32 v4, v8;
	_ =	sdelay $0x1  }
0x27d: {  	v7 =	vadd.s32 v4, v7;
	_ =	sdelay $0x1  }
0x27e: {  	s26 =	simm.s32 $0xE000  }
0x27f: {  	[tilespmem:s26], [sflag:$0x2] =	stream.indirect_vreg.gather [hbm4b:s1+s4], $0x80, v8, vm0, $0xb8;
	[tilespmem:$0x1A080] =	vst v63  }
0x280: {  	s26 =	simm.s32 $0xE800  }
0x281: {  	[tilespmem:s26], [sflag:$0x2] =	stream.indirect_vreg.gather [hbm4b:s1+s4], $0x80, v7, vm0, $0xb8;
	[tilespmem:$0x1A080] =	vst v63  }
0x282: {  	v7 =	vld.idx.msk [tilespmem:v2+s22+$0x50 ss:$0x1], $0xffff;
	_ =	sdelay $0x4  }
0x283: {  	v8 =	vshll.u32 v7, $0x1  }
0x284: {  	v7 =	vand.u32 $0x7, v7;
	v8 =	vand.u32 $0xFFFFFFF0, v8  }
0x285: {  	v7 =	vor.u32 v7, v8  }
0x286: {  	v8 =	vperm.xlane v7, v3;
	_ =	sdelay $0x1  }
0x287: {  	v7 =	vperm.xlane v7, v5;
	v8 =	vadd.s32 v4, v8;
	_ =	sdelay $0x1  }
0x288: {  	v7 =	vadd.s32 v4, v7;
	_ =	sdelay $0x1  }
0x289: {  	s26 =	simm.s32 $0xF000  }
0x28a: {  	[tilespmem:s26], [sflag:$0x2] =	stream.indirect_vreg.gather [hbm4b:s1+s4], $0x80, v8, vm0, $0xb8;
	[tilespmem:$0x1A080] =	vst v63  }
0x28b: {  	s26 =	simm.s32 $0xF800  }
0x28c: {  	[tilespmem:s26], [sflag:$0x2] =	stream.indirect_vreg.gather [hbm4b:s1+s4], $0x80, v7, vm0, $0xb8;
	[tilespmem:$0x1A080] =	vst v63  }
0x28d: {  	v7 =	vld.idx.msk [tilespmem:v2+s22+$0x60 ss:$0x1], $0xffff;
	_ =	sdelay $0x4  }
0x28e: {  	v8 =	vshll.u32 v7, $0x1  }
0x28f: {  	v7 =	vand.u32 $0x7, v7;
	v8 =	vand.u32 $0xFFFFFFF0, v8  }
0x290: {  	v7 =	vor.u32 v7, v8  }
0x291: {  	v8 =	vperm.xlane v7, v3;
	_ =	sdelay $0x1  }
0x292: {  	v7 =	vperm.xlane v7, v5;
	v8 =	vadd.s32 v4, v8;
	_ =	sdelay $0x1  }
0x293: {  	v7 =	vadd.s32 v4, v7;
	_ =	sdelay $0x1  }
0x294: {  	s26 =	simm.s32 $0x10000  }
0x295: {  	[tilespmem:s26], [sflag:$0x2] =	stream.indirect_vreg.gather [hbm4b:s1+s4], $0x80, v8, vm0, $0xb8;
	[tilespmem:$0x1A080] =	vst v63  }
0x296: {  	s26 =	simm.s32 $0x10800  }
0x297: {  	[tilespmem:s26], [sflag:$0x2] =	stream.indirect_vreg.gather [hbm4b:s1+s4], $0x80, v7, vm0, $0xb8;
	[tilespmem:$0x1A080] =	vst v63  }
0x298: {  	v7 =	vld.idx.msk [tilespmem:v2+s22+$0x70 ss:$0x1], $0xffff;
	_ =	sdelay $0x4  }
0x299: {  	v8 =	vshll.u32 v7, $0x1  }
0x29a: {  	v7 =	vand.u32 $0x7, v7;
	v8 =	vand.u32 $0xFFFFFFF0, v8  }
0x29b: {  	v7 =	vor.u32 v7, v8  }
0x29c: {  	v8 =	vperm.xlane v7, v3;
	_ =	sdelay $0x1  }
0x29d: {  	v7 =	vperm.xlane v7, v5;
	v8 =	vadd.s32 v4, v8;
	_ =	sdelay $0x1  }
0x29e: {  	v7 =	vadd.s32 v4, v7;
	_ =	sdelay $0x1  }
0x29f: {  	s26 =	simm.s32 $0x11000  }
0x2a0: {  	[tilespmem:s26], [sflag:$0x2] =	stream.indirect_vreg.gather [hbm4b:s1+s4], $0x80, v8, vm0, $0xb8;
	[tilespmem:$0x1A080] =	vst v63  }
0x2a1: {  	s26 =	simm.s32 $0x11800  }
0x2a2: {  	[tilespmem:s26], [sflag:$0x2] =	stream.indirect_vreg.gather [hbm4b:s1+s4], $0x80, v7, vm0, $0xb8;
	[tilespmem:$0x1A080] =	vst v63  }
.LBB2_12:
0x2a3: {  	p2 =	seq.s32 s21, $0x0  }
.Ltmp21:
0x2a4: {  	_ = 	snop;
	(pc) =	sbr.rel @p2 .LBB2_16-.Ltmp21, $4  }
0x2a5: {  	_ =	swait.ge [sflag:s16], $0x8000  }
0x2a6: {  	s22 =	sshll.u32 s19, $0xD;
	[sflag:s16] =	ssyncset.done $0x0  }
0x2a7: {  	s22 =	sadd.s32 s11, s22;
	[sflag:s16] =	ssyncadd.s32 $0xFFFF8000  }
0x2a8: {  	[hbm4b:s22+s4] =	stream.linear.scatter [tilespmem:s18], [sflag:$0x3], $0x8000, $0x38;
	[tilespmem:$0x1A080] =	vst v63  }
.LBB2_13:
0x2a9: {  	s20 =	sadd.s32 $0x1, s19  }
0x2aa: {  	p2 =	sge.s32 s20, s6  }
.Ltmp22:
0x2ab: {  	_ = 	snop;
	(pc) =	sbr.rel @p2 .LBB2_15-.Ltmp22, $4  }
0x2ac: {  	_ = 	snop  }
0x2ad: {  	_ =	swait.ge [sflag:s14], $0x8000  }
0x2ae: {  	[sflag:s14] =	ssyncset.done $0x0  }
0x2af: {  	[sflag:s14] =	ssyncadd.s32 $0xFFFF8000  }
0x2b0: {  	_ =	sdelay $0x1  }
0x2b1: {  	s21 =	sshll.u32 s20, $0xA  }
0x2b2: {  	s21 =	sshra.s32 s21, $0x2  }
0x2b3: {  	v7 =	vld.idx.msk [tilespmem:v2+s21+$0x0 ss:$0x1], $0xffff;
	_ =	sdelay $0x4  }
0x2b4: {  	v8 =	vshll.u32 v7, $0x1  }
0x2b5: {  	v7 =	vand.u32 $0x7, v7;
	v8 =	vand.u32 $0xFFFFFFF0, v8  }
0x2b6: {  	v7 =	vor.u32 v7, v8  }
0x2b7: {  	v8 =	vperm.xlane v7, v3;
	_ =	sdelay $0x1  }
0x2b8: {  	v7 =	vperm.xlane v7, v5;
	v8 =	vadd.s32 v4, v8;
	_ =	sdelay $0x1  }
0x2b9: {  	v7 =	vadd.s32 v4, v7;
	_ =	sdelay $0x2  }
0x2ba: {  	[tilespmem:s18], [sflag:$0x1] =	stream.indirect_vreg.gather [hbm4b:s1+s4], $0x80, v8, vm0, $0xb8;
	[tilespmem:$0x1A080] =	vst v63  }
0x2bb: {  	_ = 	snop  }
0x2bc: {  	[tilespmem:s23], [sflag:$0x1] =	stream.indirect_vreg.gather [hbm4b:s1+s4], $0x80, v7, vm0, $0xb8;
	[tilespmem:$0x1A080] =	vst v63  }
0x2bd: {  	v7 =	vld.idx.msk [tilespmem:v2+s21+$0x10 ss:$0x1], $0xffff;
	_ =	sdelay $0x4  }
0x2be: {  	v8 =	vshll.u32 v7, $0x1  }
0x2bf: {  	v7 =	vand.u32 $0x7, v7;
	v8 =	vand.u32 $0xFFFFFFF0, v8  }
0x2c0: {  	v7 =	vor.u32 v7, v8  }
0x2c1: {  	v8 =	vperm.xlane v7, v3;
	_ =	sdelay $0x1  }
0x2c2: {  	v7 =	vperm.xlane v7, v5;
	v8 =	vadd.s32 v4, v8;
	_ =	sdelay $0x1  }
0x2c3: {  	v7 =	vadd.s32 v4, v7;
	_ =	sdelay $0x2  }
0x2c4: {  	[tilespmem:s24], [sflag:$0x1] =	stream.indirect_vreg.gather [hbm4b:s1+s4], $0x80, v8, vm0, $0xb8;
	[tilespmem:$0x1A080] =	vst v63  }
0x2c5: {  	s22 =	simm.s32 $0x3800  }
0x2c6: {  	[tilespmem:s22], [sflag:$0x1] =	stream.indirect_vreg.gather [hbm4b:s1+s4], $0x80, v7, vm0, $0xb8;
	[tilespmem:$0x1A080] =	vst v63  }
0x2c7: {  	v7 =	vld.idx.msk [tilespmem:v2+s21+$0x20 ss:$0x1], $0xffff;
	_ =	sdelay $0x4  }
0x2c8: {  	v8 =	vshll.u32 v7, $0x1  }
0x2c9: {  	v7 =	vand.u32 $0x7, v7;
	v8 =	vand.u32 $0xFFFFFFF0, v8  }
0x2ca: {  	v7 =	vor.u32 v7, v8  }
0x2cb: {  	v8 =	vperm.xlane v7, v3;
	_ =	sdelay $0x1  }
0x2cc: {  	v7 =	vperm.xlane v7, v5;
	v8 =	vadd.s32 v4, v8;
	_ =	sdelay $0x1  }
0x2cd: {  	v7 =	vadd.s32 v4, v7;
	_ =	sdelay $0x1  }
0x2ce: {  	s26 =	simm.s32 $0x4000  }
0x2cf: {  	[tilespmem:s26], [sflag:$0x1] =	stream.indirect_vreg.gather [hbm4b:s1+s4], $0x80, v8, vm0, $0xb8;
	[tilespmem:$0x1A080] =	vst v63  }
0x2d0: {  	s26 =	simm.s32 $0x4800  }
0x2d1: {  	[tilespmem:s26], [sflag:$0x1] =	stream.indirect_vreg.gather [hbm4b:s1+s4], $0x80, v7, vm0, $0xb8;
	[tilespmem:$0x1A080] =	vst v63  }
0x2d2: {  	v7 =	vld.idx.msk [tilespmem:v2+s21+$0x30 ss:$0x1], $0xffff;
	_ =	sdelay $0x4  }
0x2d3: {  	v8 =	vshll.u32 v7, $0x1  }
0x2d4: {  	v7 =	vand.u32 $0x7, v7;
	v8 =	vand.u32 $0xFFFFFFF0, v8  }
0x2d5: {  	v7 =	vor.u32 v7, v8  }
0x2d6: {  	v8 =	vperm.xlane v7, v3;
	_ =	sdelay $0x1  }
0x2d7: {  	v7 =	vperm.xlane v7, v5;
	v8 =	vadd.s32 v4, v8;
	_ =	sdelay $0x1  }
0x2d8: {  	v7 =	vadd.s32 v4, v7;
	_ =	sdelay $0x1  }
0x2d9: {  	s26 =	simm.s32 $0x5000  }
0x2da: {  	[tilespmem:s26], [sflag:$0x1] =	stream.indirect_vreg.gather [hbm4b:s1+s4], $0x80, v8, vm0, $0xb8;
	[tilespmem:$0x1A080] =	vst v63  }
0x2db: {  	s26 =	simm.s32 $0x5800  }
0x2dc: {  	[tilespmem:s26], [sflag:$0x1] =	stream.indirect_vreg.gather [hbm4b:s1+s4], $0x80, v7, vm0, $0xb8;
	[tilespmem:$0x1A080] =	vst v63  }
0x2dd: {  	v7 =	vld.idx.msk [tilespmem:v2+s21+$0x40 ss:$0x1], $0xffff;
	_ =	sdelay $0x4  }
0x2de: {  	v8 =	vshll.u32 v7, $0x1  }
0x2df: {  	v7 =	vand.u32 $0x7, v7;
	v8 =	vand.u32 $0xFFFFFFF0, v8  }
0x2e0: {  	v7 =	vor.u32 v7, v8  }
0x2e1: {  	v8 =	vperm.xlane v7, v3;
	_ =	sdelay $0x1  }
0x2e2: {  	v7 =	vperm.xlane v7, v5;
	v8 =	vadd.s32 v4, v8;
	_ =	sdelay $0x1  }
0x2e3: {  	v7 =	vadd.s32 v4, v7;
	_ =	sdelay $0x1  }
0x2e4: {  	s26 =	simm.s32 $0x6000  }
0x2e5: {  	[tilespmem:s26], [sflag:$0x1] =	stream.indirect_vreg.gather [hbm4b:s1+s4], $0x80, v8, vm0, $0xb8;
	[tilespmem:$0x1A080] =	vst v63  }
0x2e6: {  	_ = 	snop  }
0x2e7: {  	[tilespmem:s28], [sflag:$0x1] =	stream.indirect_vreg.gather [hbm4b:s1+s4], $0x80, v7, vm0, $0xb8;
	[tilespmem:$0x1A080] =	vst v63  }
0x2e8: {  	v7 =	vld.idx.msk [tilespmem:v2+s21+$0x50 ss:$0x1], $0xffff;
	_ =	sdelay $0x4  }
0x2e9: {  	v8 =	vshll.u32 v7, $0x1  }
0x2ea: {  	v7 =	vand.u32 $0x7, v7;
	v8 =	vand.u32 $0xFFFFFFF0, v8  }
0x2eb: {  	v7 =	vor.u32 v7, v8  }
0x2ec: {  	v8 =	vperm.xlane v7, v3;
	_ =	sdelay $0x1  }
0x2ed: {  	v7 =	vperm.xlane v7, v5;
	v8 =	vadd.s32 v4, v8;
	_ =	sdelay $0x1  }
0x2ee: {  	v7 =	vadd.s32 v4, v7;
	_ =	sdelay $0x2  }
0x2ef: {  	[tilespmem:s29], [sflag:$0x1] =	stream.indirect_vreg.gather [hbm4b:s1+s4], $0x80, v8, vm0, $0xb8;
	[tilespmem:$0x1A080] =	vst v63  }
0x2f0: {  	_ = 	snop  }
0x2f1: {  	[tilespmem:s30], [sflag:$0x1] =	stream.indirect_vreg.gather [hbm4b:s1+s4], $0x80, v7, vm0, $0xb8;
	[tilespmem:$0x1A080] =	vst v63  }
0x2f2: {  	v7 =	vld.idx.msk [tilespmem:v2+s21+$0x60 ss:$0x1], $0xffff;
	_ =	sdelay $0x4  }
0x2f3: {  	v8 =	vshll.u32 v7, $0x1  }
0x2f4: {  	v7 =	vand.u32 $0x7, v7;
	v8 =	vand.u32 $0xFFFFFFF0, v8  }
0x2f5: {  	v7 =	vor.u32 v7, v8  }
0x2f6: {  	v8 =	vperm.xlane v7, v3;
	_ =	sdelay $0x1  }
0x2f7: {  	v7 =	vperm.xlane v7, v5;
	v8 =	vadd.s32 v4, v8;
	_ =	sdelay $0x1  }
0x2f8: {  	v7 =	vadd.s32 v4, v7;
	_ =	sdelay $0x2  }
0x2f9: {  	[tilespmem:s31], [sflag:$0x1] =	stream.indirect_vreg.gather [hbm4b:s1+s4], $0x80, v8, vm0, $0xb8;
	[tilespmem:$0x1A080] =	vst v63  }
0x2fa: {  	_ = 	snop  }
0x2fb: {  	[tilespmem:s0], [sflag:$0x1] =	stream.indirect_vreg.gather [hbm4b:s1+s4], $0x80, v7, vm0, $0xb8;
	[tilespmem:$0x1A080] =	vst v63  }
0x2fc: {  	v7 =	vld.idx.msk [tilespmem:v2+s21+$0x70 ss:$0x1], $0xffff;
	_ =	sdelay $0x4  }
0x2fd: {  	v8 =	vshll.u32 v7, $0x1  }
0x2fe: {  	v7 =	vand.u32 $0x7, v7;
	v8 =	vand.u32 $0xFFFFFFF0, v8  }
0x2ff: {  	v7 =	vor.u32 v7, v8  }
0x300: {  	v8 =	vperm.xlane v7, v3;
	_ =	sdelay $0x1  }
0x301: {  	v7 =	vperm.xlane v7, v5;
	v8 =	vadd.s32 v4, v8;
	_ =	sdelay $0x1  }
0x302: {  	v7 =	vadd.s32 v4, v7  }
.Ltmp23:
0x303: {  	_ = 	snop;
	(pc) =	sbr.rel .LBB2_15-.Ltmp23, $4  }
0x304: {  	_ = 	snop  }
0x305: {  	[tilespmem:s2], [sflag:$0x1] =	stream.indirect_vreg.gather [hbm4b:s1+s4], $0x80, v8, vm0, $0xb8;
	[tilespmem:$0x1A080] =	vst v63  }
0x306: {  	_ = 	snop  }
0x307: {  	[tilespmem:s3], [sflag:$0x1] =	stream.indirect_vreg.gather [hbm4b:s1+s4], $0x80, v7, vm0, $0xb8;
	[tilespmem:$0x1A080] =	vst v63  }
.LBB2_20:
.Ltmp24:
0x308: {  	(pc) =	sbr.rel .LBB2_24-.Ltmp24, $2  }
0x309: {  	_ =	sdelay $0x2  }
0x30a: {  	_ = 	snop  }
.LBB2_33:
0x30b: {  	_ =	sfence.sel $0x180000  }
0x30c: {  	[bflag:$0x0] =	sbarrier.arrive $0xFFFF  }
0x30d: {  	_ =	strace $0x90000047  }
0x30e: {  	s0 =	stileid.u32;
	[bflag:$0x2] =	sbarrier.arrive $0xFFFF  }
0x30f: {  	p0 =	sne.s32 s0, $0x0;
	s0 =	rddreg [dreg:$0x3]  }
0x310: {  	s0 =	sadd.s32 @!p0 $0x100000, s0  }
0x311: {  	[sflag:s0] =	ssyncadd.tile.s32 @!p0 $0x1;
	_ =	shalt  }
.Lfunc_end2:
_tile_overlayer_lowered:
.L_overlay_start_2:
0x312: {  	(tag) =	ssettag $0x2  }
0x313: {  	s0 =	rddreg [dreg:$0x0];
	s2 =	stileid.u32  }
0x314: {  	s1 =	rddreg [dreg:$0x1];
	p0 =	sne.s32 s2, $0x0  }
0x315: {  	s3 =	rddreg [dreg:$0x2];
	[bflag:$0x3] =	sbarrier.arrive $0xFFFF;
	s2 =	simm.s32 @!p0 $0x1C04  }
0x316: {  	[timem:s3], [sflag:s2] =	dma.local @!p0 [hbm:s0], s1  }
0x317: {  	s0 =	simm.s32 @!p0 $0x4  }
0x318: {  	_ =	swait.ge @!p0 [sflag:s0], s1  }
0x319: {  	s1 =	ssub.s32 @!p0 $0x0, s1;
	[sflag:s0] =	ssyncset.done @!p0 $0x0  }
0x31a: {  	[sflag:s0] =	ssyncadd.s32 @!p0 s1  }
0x31b: {  	[bflag:$0x3] =	sbarrier.arrive $0xFFFF  }
0x31c: {  	_ =	shalt  }

</sc_bundles>
